<compile_context>
chip_gen: v7x
topology: tpu7x:2x2x1
jax: 0.10.2.dev20260603
libtpu: 0.0.44.dev20260713+nightly
codegen_flags: <defaults>
</compile_context>

<pallas_src>
import functools

import jax
import jax.numpy as jnp
from jax import lax
from jax.experimental import pallas as pl
from jax.experimental.pallas import tpu as pltpu
from jax.experimental.pallas import tpu_sc as plsc

N = 10000
E = 320000
D_IN = 128
H1, O1 = 8, 8
H2, O2 = 1, 16

NC, NS, LANES = 2, 16, 16
NW = NC * NS
CH = 128
E2 = E + N
EPT_CHUNKS = -(-E2 // (NW * CH))
EPT = EPT_CHUNKS * CH
E_PAD = EPT * NW

ACC_N = 10112
ROWS_PT = ACC_N // NS

W1COL = 80
W2COL = 24


def _lrelu(x):
    return jnp.maximum(x, 0.2 * x)



def _tc1_body(x_ref, w1_ref, as_ref, ad_ref, t1_ref, adt_ref):
    h = jnp.dot(x_ref[...], w1_ref[...], preferred_element_type=jnp.float32)
    a_s = jnp.dot(h, as_ref[...], preferred_element_type=jnp.float32)
    a_d = jnp.dot(h, ad_ref[...], preferred_element_type=jnp.float32)
    t1_ref[...] = jnp.concatenate([h, a_s, jnp.zeros((N, 8), jnp.float32)], axis=1)
    adt_ref[...] = jnp.concatenate([a_d, jnp.zeros((16, H1), jnp.float32)], axis=0)


def _tc2_body(acc_ref, b1_ref, w2_ref, as2_ref, ad2_ref, rep_ref, t2_ref, adt_ref):
    num = acc_ref[0, :N, :64] + acc_ref[1, :N, :64]
    den = acc_ref[0, :N, 64:72] + acc_ref[1, :N, 64:72]
    den_rep = jnp.dot(den, rep_ref[...], preferred_element_type=jnp.float32)
    out1 = num / (den_rep + 1e-16) + b1_ref[...]
    out1 = jnp.where(out1 > 0, out1, jnp.exp(jnp.minimum(out1, 0.0)) - 1.0)
    h2 = jnp.dot(out1, w2_ref[...], preferred_element_type=jnp.float32)
    a_s2 = jnp.dot(h2, as2_ref[...], preferred_element_type=jnp.float32)
    a_d2 = jnp.dot(h2, ad2_ref[...], preferred_element_type=jnp.float32)
    t2_ref[...] = jnp.concatenate(
        [h2, a_s2, jnp.zeros((N, W2COL - 17), jnp.float32)], axis=1)
    adt_ref[...] = jnp.concatenate(
        [jnp.concatenate([a_d2, jnp.zeros((N, 7), jnp.float32)], axis=1),
         jnp.zeros((16, 8), jnp.float32)], axis=0)


def _tc3_body(acc_ref, b2_ref, out_ref):
    num = acc_ref[0, :N, :16] + acc_ref[1, :N, :16]
    den = acc_ref[0, :N, 16:17] + acc_ref[1, :N, 16:17]
    out = num / (den + 1e-16) + b2_ref[...]
    m = jnp.max(out, axis=1, keepdims=True)
    lse = m + jnp.log(jnp.sum(jnp.exp(out - m), axis=1, keepdims=True))
    out_ref[...] = out - lse



def _sc_edge_body(nmsg, t_hbm, ad_hbm, src_hbm, dst_hbm, z_hbm, out_hbm,
                  srcv, dstv, tv, adv, exb, acc, sem):
    cid = lax.axis_index("c")
    sid = lax.axis_index("s")
    wid = sid * NC + cid
    iota = lax.iota(jnp.int32, LANES)

    pltpu.sync_copy(z_hbm, tv)
    r0 = sid * ROWS_PT
    nfull = ROWS_PT // CH
    rem = ROWS_PT - nfull * CH
    for b in range(nfull):
        pltpu.sync_copy(tv, acc.at[pl.ds(r0 + b * CH, CH)])
    if rem:
        pltpu.sync_copy(tv.at[pl.ds(0, rem)], acc.at[pl.ds(r0 + nfull * CH, rem)])
    plsc.subcore_barrier()

    ebase = wid * EPT

    if nmsg == 64:
        def process():
            def exloop(p, c):
                rows = 2 * p + (iota >> 3)
                a_s = plsc.load_gather(tv, [rows, 64 + (iota & 7)])
                a_d = plsc.load_gather(adv, [rows, iota & 7])
                ex = jnp.exp(_lrelu(a_s + a_d))
                exb[pl.ds(16 * p, LANES)] = ex
                return c
            lax.fori_loop(0, CH // 2, exloop, 0)

            def edgeloop(e, c):
                erow = jnp.full((LANES,), e, jnp.int32)
                for j in range(4):
                    idx = e * 8 + ((j * 16 + iota) >> 3)
                    exv = plsc.load_gather(exb, [idx])
                    hv = tv[e, pl.ds(j * 16, LANES)]
                    tv[e, pl.ds(j * 16, LANES)] = hv * exv
                exden = exb[pl.ds(e * 8, LANES)]
                plsc.store_scatter(tv, [erow, 64 + iota], exden, mask=iota < 8)
                return c
            lax.fori_loop(0, CH, edgeloop, 0)
    else:
        def process():
            def exloop(q, c):
                rows = 16 * q + iota
                a_s = plsc.load_gather(tv, [rows, jnp.full((LANES,), 16, jnp.int32)])
                a_d = plsc.load_gather(adv, [rows, jnp.zeros((LANES,), jnp.int32)])
                ex = jnp.exp(_lrelu(a_s + a_d))
                exb[pl.ds(16 * q, LANES)] = ex
                return c
            lax.fori_loop(0, CH // 16, exloop, 0)

            def edgeloop(e, c):
                erow = jnp.full((LANES,), e, jnp.int32)
                exv = plsc.load_gather(exb, [jnp.full((LANES,), e, jnp.int32)])
                hv = tv[e, pl.ds(0, LANES)]
                tv[e, pl.ds(0, LANES)] = hv * exv
                plsc.store_scatter(tv, [erow, 16 + iota], exv, mask=iota < 8)
                return c
            lax.fori_loop(0, CH, edgeloop, 0)

    def chunk(ci, c):
        base = ebase + ci * CH
        pltpu.sync_copy(src_hbm.at[pl.ds(base, CH)], srcv)
        pltpu.sync_copy(dst_hbm.at[pl.ds(base, CH)], dstv)
        pltpu.async_copy(t_hbm.at[srcv], tv, sem).wait()
        pltpu.async_copy(ad_hbm.at[dstv], adv, sem).wait()
        process()
        pltpu.sync_copy(tv, acc.at[dstv], add=True)
        return c

    lax.fori_loop(0, EPT_CHUNKS, chunk, 0)

    plsc.subcore_barrier()
    for b in range(nfull):
        pltpu.sync_copy(acc.at[pl.ds(r0 + b * CH, CH)], tv)
        pltpu.sync_copy(tv, out_hbm.at[cid, pl.ds(r0 + b * CH, CH)])
    if rem:
        pltpu.sync_copy(acc.at[pl.ds(r0 + nfull * CH, rem)], tv.at[pl.ds(0, rem)])
        pltpu.sync_copy(tv.at[pl.ds(0, rem)],
                        out_hbm.at[cid, pl.ds(r0 + nfull * CH, rem)])


def _make_sc_kernel(ncol, nmsg):
    mesh = plsc.VectorSubcoreMesh(core_axis_name="c", subcore_axis_name="s")
    return pl.kernel(
        functools.partial(_sc_edge_body, nmsg),
        out_type=jax.ShapeDtypeStruct((NC, ACC_N, ncol), jnp.float32),
        mesh=mesh,
        compiler_params=pltpu.CompilerParams(
            needs_layout_passes=False, use_tc_tiling_on_sc=False),
        scratch_types=[
            pltpu.VMEM((CH,), jnp.int32),
            pltpu.VMEM((CH,), jnp.int32),
            pltpu.VMEM((CH, ncol), jnp.float32),
            pltpu.VMEM((CH, 8), jnp.float32),
            pltpu.VMEM((CH * 8 + 16,), jnp.float32),
            pltpu.VMEM_SHARED((ACC_N, ncol), jnp.float32),
            pltpu.SemaphoreType.DMA,
        ],
    )



def kernel(x, edge_index, W1, att_src1, att_dst1, b1, W2, att_src2, att_dst2, b2):
    f32 = jnp.float32
    loop = jnp.arange(N, dtype=edge_index.dtype)
    src = jnp.concatenate([edge_index[0], loop,
                           jnp.zeros((E_PAD - E2,), edge_index.dtype)])
    dst = jnp.concatenate([edge_index[1], loop,
                           jnp.full((E_PAD - E2,), N, edge_index.dtype)])

    hd = jnp.arange(H1)
    eye_h = (hd[:, None] == hd[None, :]).astype(f32)
    As1 = (att_src1[:, :, None] * eye_h[:, None, :]).reshape(H1 * O1, H1)
    Ad1 = (att_dst1[:, :, None] * eye_h[:, None, :]).reshape(H1 * O1, H1)
    Rep = jnp.repeat(jnp.eye(H1, dtype=f32), O1, axis=1)
    As2 = att_src2.reshape(H2 * O2, H2)
    Ad2 = att_dst2.reshape(H2 * O2, H2)

    t1, adt1 = pl.pallas_call(
        _tc1_body,
        out_shape=[jax.ShapeDtypeStruct((N, W1COL), f32),
                   jax.ShapeDtypeStruct((N + 16, H1), f32)],
    )(x, W1, As1, Ad1)

    z1 = jnp.zeros((CH, W1COL), f32)
    acc1 = _make_sc_kernel(W1COL, 64)(t1, adt1, src, dst, z1)

    t2, adt2 = pl.pallas_call(
        _tc2_body,
        out_shape=[jax.ShapeDtypeStruct((N, W2COL), f32),
                   jax.ShapeDtypeStruct((N + 16, 8), f32)],
    )(acc1, b1.reshape(1, H1 * O1), W2, As2, Ad2, Rep)

    z2 = jnp.zeros((CH, W2COL), f32)
    acc2 = _make_sc_kernel(W2COL, 16)(t2, adt2, src, dst, z2)

    out = pl.pallas_call(
        _tc3_body,
        out_shape=jax.ShapeDtypeStruct((N, H2 * O2), f32),
    )(acc2, b2.reshape(1, H2 * O2))
    return out

# --- scband reference (transcript-rebuilt; emitter-appended) ---
"""Pipeline reference for scband-gat-76287209111908 (READ-ONLY COPY).

The authoritative reference and input builder live on the scoring server;
editing this copy changes nothing except your own understanding.
"""

import jax, jax.numpy as jnp
import numpy as np

N = 10000
E = 320000
D_IN = 128
H1, O1 = 8, 8
H2, O2 = 1, 16


def gat_conv(x, edge_index, W, att_src, att_dst, bias, heads, out_ch):
    n = x.shape[0]
    # PyG GATConv default: add self loops
    loop = jnp.arange(n, dtype=edge_index.dtype)
    ei = jnp.concatenate([edge_index, jnp.stack([loop, loop])], axis=1)
    src, dst = ei[0], ei[1]
    h = (x @ W).reshape(n, heads, out_ch)
    a_s = (h * att_src).sum(-1)  # [n, H]
    a_d = (h * att_dst).sum(-1)  # [n, H]
    alpha = a_s[src] + a_d[dst]  # [e, H]
    alpha = jax.nn.leaky_relu(alpha, 0.2)
    amax = jax.ops.segment_max(alpha, dst, num_segments=n)
    amax = jnp.where(jnp.isfinite(amax), amax, 0.0)
    ex = jnp.exp(alpha - amax[dst])
    den = jax.ops.segment_sum(ex, dst, num_segments=n)
    coef = ex / (den[dst] + 1e-16)
    msg = h[src] * coef[:, :, None]
    out = jax.ops.segment_sum(msg, dst, num_segments=n)
    return out.reshape(n, heads * out_ch) + bias


def setup_inputs(seed: int = 0) -> dict:
    key = jax.random.key(seed)
    ks = jax.random.split(key, 12)
    x = jax.random.normal(ks[0], (N, D_IN), dtype=jnp.float32)
    edge_index = jax.random.randint(ks[1], (2, E), 0, N, dtype=jnp.int32)
    W1 = jax.random.normal(ks[2], (D_IN, H1 * O1), dtype=jnp.float32) * 0.1
    att_src1 = jax.random.normal(ks[3], (H1, O1), dtype=jnp.float32) * 0.1
    att_dst1 = jax.random.normal(ks[4], (H1, O1), dtype=jnp.float32) * 0.1
    b1 = jnp.zeros((H1 * O1,), dtype=jnp.float32)
    W2 = jax.random.normal(ks[5], (H1 * O1, H2 * O2), dtype=jnp.float32) * 0.1
    att_src2 = jax.random.normal(ks[6], (H2, O2), dtype=jnp.float32) * 0.1
    att_dst2 = jax.random.normal(ks[7], (H2, O2), dtype=jnp.float32) * 0.1
    b2 = jnp.zeros((H2 * O2,), dtype=jnp.float32)
    return {"x": x, "edge_index": edge_index, "W1": W1, "att_src1": att_src1,
            "att_dst1": att_dst1, "b1": b1, "W2": W2, "att_src2": att_src2,
            "att_dst2": att_dst2, "b2": b2}


def reference(x, edge_index, W1, att_src1, att_dst1, b1, W2, att_src2, att_dst2, b2):
    # dropout is a no-op in eval mode
    h = gat_conv(x, edge_index, W1, att_src1, att_dst1, b1, H1, O1)
    h = jax.nn.elu(h)
    out = gat_conv(h, edge_index, W2, att_src2, att_dst2, b2, H2, O2)
    return jax.nn.log_softmax(out, axis=1)

if __name__ == "__main__":
    import jax
    _d = setup_inputs()
    print(jax.jit(kernel)(*tuple(_d.values())))

</pallas_src>

<mosaic_0001>
#map = affine_map<(d0, d1) -> (0, 0)>
#map1 = affine_map<(d0, d1) -> (0)>
#map2 = affine_map<(d0, d1) -> (0, 0, 0)>
module attributes {stable_mosaic.version = 14 : i64} {
  func.func @_sc_edge_body(%arg0: i32, %arg1: i32, %arg2: memref<10000x24xf32, #tpu.memory_space<hbm>>, %arg3: memref<10016x8xf32, #tpu.memory_space<hbm>>, %arg4: memref<331776xi32, #tpu.memory_space<hbm>>, %arg5: memref<331776xi32, #tpu.memory_space<hbm>>, %arg6: memref<128x24xf32, #tpu.memory_space<hbm>>, %arg7: memref<2x10112x24xf32, #tpu.memory_space<hbm>>, %arg8: memref<128xi32, #tpu.memory_space<vmem>>, %arg9: memref<128xi32, #tpu.memory_space<vmem>>, %arg10: memref<128x24xf32, #tpu.memory_space<vmem>>, %arg11: memref<128x8xf32, #tpu.memory_space<vmem>>, %arg12: memref<1040xf32, #tpu.memory_space<vmem>>, %arg13: memref<10112x24xf32, #tpu.memory_space<vmem_shared>>, %arg14: memref<!tpu.dma_semaphore, #tpu.memory_space<semaphore_mem>>) attributes {dimension_semantics = [#tpu.dimension_semantics<core_parallel>, #tpu.dimension_semantics<subcore_parallel>], iteration_bounds = array<i64: 2, 16>, scalar_prefetch = 0 : i64, scratch_operands = 7 : i64, tpu.core_type = #tpu.core_type<sc_vector_subcore>, window_params = [{transform_indices = #map}, {transform_indices = #map}, {transform_indices = #map1}, {transform_indices = #map1}, {transform_indices = #map}, {transform_indices = #map2}]} {
    %mul3A = arith.constant 2 : i32
    %mul3A_0 = arith.muli %arg1, %mul3A : i32
    %add3A = arith.addi %mul3A_0, %arg0 : i32
    %iota3A = tpu.iota {dimensions = array<i32: 0>} : vector<16xi32>
    "tpu.region"() ({
      %run_scoped3A = tpu.sem_alloc : memref<!tpu.dma_semaphore, #tpu.memory_space<semaphore_mem>>
      tpu.enqueue_dma source(%arg6 : memref<128x24xf32, #tpu.memory_space<hbm>>) target(%arg10 : memref<128x24xf32, #tpu.memory_space<vmem>>) target_semaphore(%run_scoped3A : memref<!tpu.dma_semaphore, #tpu.memory_space<semaphore_mem>>)
      tpu.wait_dma2 semaphore(%run_scoped3A : memref<!tpu.dma_semaphore, #tpu.memory_space<semaphore_mem>>) src(%arg6 : memref<128x24xf32, #tpu.memory_space<hbm>>) dst(%arg10 : memref<128x24xf32, #tpu.memory_space<vmem>>)
      tpu.yield
    }) : () -> ()
    %mul3A_1 = arith.constant 632 : i32
    %mul3A_2 = arith.muli %arg1, %mul3A_1 : i32
    %add3A_3 = arith.constant 0 : i32
    %add3A_4 = arith.addi %mul3A_2, %add3A_3 : i32
    "tpu.region"() ({
      %run_scoped3A = tpu.sem_alloc : memref<!tpu.dma_semaphore, #tpu.memory_space<semaphore_mem>>
      %dma_start3A = arith.constant 0 : i32
      %dma_start3A_41 = tpu.memref_slice %arg13[%add3A_4, %dma_start3A] : memref<10112x24xf32, #tpu.memory_space<vmem_shared>> -> memref<128x24xf32, #tpu.memory_space<vmem_shared>>
      %dma_start3A_42 = arith.constant 0 : i32
      %dma_start3A_43 = tpu.memref_slice %arg13[%add3A_4, %dma_start3A_42] : memref<10112x24xf32, #tpu.memory_space<vmem_shared>> -> memref<128x24xf32, #tpu.memory_space<vmem_shared>>
      tpu.enqueue_dma source(%arg10 : memref<128x24xf32, #tpu.memory_space<vmem>>) target(%dma_start3A_43 : memref<128x24xf32, #tpu.memory_space<vmem_shared>>) target_semaphore(%run_scoped3A : memref<!tpu.dma_semaphore, #tpu.memory_space<semaphore_mem>>)
      %dma_wait3A = arith.constant 0 : i32
      %dma_wait3A_44 = tpu.memref_slice %arg13[%add3A_4, %dma_wait3A] : memref<10112x24xf32, #tpu.memory_space<vmem_shared>> -> memref<128x24xf32, #tpu.memory_space<vmem_shared>>
      %dma_wait3A_45 = arith.constant 0 : i32
      %dma_wait3A_46 = tpu.memref_slice %arg13[%add3A_4, %dma_wait3A_45] : memref<10112x24xf32, #tpu.memory_space<vmem_shared>> -> memref<128x24xf32, #tpu.memory_space<vmem_shared>>
      tpu.wait_dma2 semaphore(%run_scoped3A : memref<!tpu.dma_semaphore, #tpu.memory_space<semaphore_mem>>) src(%arg10 : memref<128x24xf32, #tpu.memory_space<vmem>>) dst(%dma_wait3A_46 : memref<128x24xf32, #tpu.memory_space<vmem_shared>>)
      tpu.yield
    }) : () -> ()
    %add3A_5 = arith.constant 128 : i32
    %add3A_6 = arith.addi %mul3A_2, %add3A_5 : i32
    "tpu.region"() ({
      %run_scoped3A = tpu.sem_alloc : memref<!tpu.dma_semaphore, #tpu.memory_space<semaphore_mem>>
      %dma_start3A = arith.constant 0 : i32
      %dma_start3A_41 = tpu.memref_slice %arg13[%add3A_6, %dma_start3A] : memref<10112x24xf32, #tpu.memory_space<vmem_shared>> -> memref<128x24xf32, #tpu.memory_space<vmem_shared>>
      %dma_start3A_42 = arith.constant 0 : i32
      %dma_start3A_43 = tpu.memref_slice %arg13[%add3A_6, %dma_start3A_42] : memref<10112x24xf32, #tpu.memory_space<vmem_shared>> -> memref<128x24xf32, #tpu.memory_space<vmem_shared>>
      tpu.enqueue_dma source(%arg10 : memref<128x24xf32, #tpu.memory_space<vmem>>) target(%dma_start3A_43 : memref<128x24xf32, #tpu.memory_space<vmem_shared>>) target_semaphore(%run_scoped3A : memref<!tpu.dma_semaphore, #tpu.memory_space<semaphore_mem>>)
      %dma_wait3A = arith.constant 0 : i32
      %dma_wait3A_44 = tpu.memref_slice %arg13[%add3A_6, %dma_wait3A] : memref<10112x24xf32, #tpu.memory_space<vmem_shared>> -> memref<128x24xf32, #tpu.memory_space<vmem_shared>>
      %dma_wait3A_45 = arith.constant 0 : i32
      %dma_wait3A_46 = tpu.memref_slice %arg13[%add3A_6, %dma_wait3A_45] : memref<10112x24xf32, #tpu.memory_space<vmem_shared>> -> memref<128x24xf32, #tpu.memory_space<vmem_shared>>
      tpu.wait_dma2 semaphore(%run_scoped3A : memref<!tpu.dma_semaphore, #tpu.memory_space<semaphore_mem>>) src(%arg10 : memref<128x24xf32, #tpu.memory_space<vmem>>) dst(%dma_wait3A_46 : memref<128x24xf32, #tpu.memory_space<vmem_shared>>)
      tpu.yield
    }) : () -> ()
    %add3A_7 = arith.constant 256 : i32
    %add3A_8 = arith.addi %mul3A_2, %add3A_7 : i32
    "tpu.region"() ({
      %run_scoped3A = tpu.sem_alloc : memref<!tpu.dma_semaphore, #tpu.memory_space<semaphore_mem>>
      %dma_start3A = arith.constant 0 : i32
      %dma_start3A_41 = tpu.memref_slice %arg13[%add3A_8, %dma_start3A] : memref<10112x24xf32, #tpu.memory_space<vmem_shared>> -> memref<128x24xf32, #tpu.memory_space<vmem_shared>>
      %dma_start3A_42 = arith.constant 0 : i32
      %dma_start3A_43 = tpu.memref_slice %arg13[%add3A_8, %dma_start3A_42] : memref<10112x24xf32, #tpu.memory_space<vmem_shared>> -> memref<128x24xf32, #tpu.memory_space<vmem_shared>>
      tpu.enqueue_dma source(%arg10 : memref<128x24xf32, #tpu.memory_space<vmem>>) target(%dma_start3A_43 : memref<128x24xf32, #tpu.memory_space<vmem_shared>>) target_semaphore(%run_scoped3A : memref<!tpu.dma_semaphore, #tpu.memory_space<semaphore_mem>>)
      %dma_wait3A = arith.constant 0 : i32
      %dma_wait3A_44 = tpu.memref_slice %arg13[%add3A_8, %dma_wait3A] : memref<10112x24xf32, #tpu.memory_space<vmem_shared>> -> memref<128x24xf32, #tpu.memory_space<vmem_shared>>
      %dma_wait3A_45 = arith.constant 0 : i32
      %dma_wait3A_46 = tpu.memref_slice %arg13[%add3A_8, %dma_wait3A_45] : memref<10112x24xf32, #tpu.memory_space<vmem_shared>> -> memref<128x24xf32, #tpu.memory_space<vmem_shared>>
      tpu.wait_dma2 semaphore(%run_scoped3A : memref<!tpu.dma_semaphore, #tpu.memory_space<semaphore_mem>>) src(%arg10 : memref<128x24xf32, #tpu.memory_space<vmem>>) dst(%dma_wait3A_46 : memref<128x24xf32, #tpu.memory_space<vmem_shared>>)
      tpu.yield
    }) : () -> ()
    %add3A_9 = arith.constant 384 : i32
    %add3A_10 = arith.addi %mul3A_2, %add3A_9 : i32
    "tpu.region"() ({
      %run_scoped3A = tpu.sem_alloc : memref<!tpu.dma_semaphore, #tpu.memory_space<semaphore_mem>>
      %dma_start3A = arith.constant 0 : i32
      %dma_start3A_41 = tpu.memref_slice %arg13[%add3A_10, %dma_start3A] : memref<10112x24xf32, #tpu.memory_space<vmem_shared>> -> memref<128x24xf32, #tpu.memory_space<vmem_shared>>
      %dma_start3A_42 = arith.constant 0 : i32
      %dma_start3A_43 = tpu.memref_slice %arg13[%add3A_10, %dma_start3A_42] : memref<10112x24xf32, #tpu.memory_space<vmem_shared>> -> memref<128x24xf32, #tpu.memory_space<vmem_shared>>
      tpu.enqueue_dma source(%arg10 : memref<128x24xf32, #tpu.memory_space<vmem>>) target(%dma_start3A_43 : memref<128x24xf32, #tpu.memory_space<vmem_shared>>) target_semaphore(%run_scoped3A : memref<!tpu.dma_semaphore, #tpu.memory_space<semaphore_mem>>)
      %dma_wait3A = arith.constant 0 : i32
      %dma_wait3A_44 = tpu.memref_slice %arg13[%add3A_10, %dma_wait3A] : memref<10112x24xf32, #tpu.memory_space<vmem_shared>> -> memref<128x24xf32, #tpu.memory_space<vmem_shared>>
      %dma_wait3A_45 = arith.constant 0 : i32
      %dma_wait3A_46 = tpu.memref_slice %arg13[%add3A_10, %dma_wait3A_45] : memref<10112x24xf32, #tpu.memory_space<vmem_shared>> -> memref<128x24xf32, #tpu.memory_space<vmem_shared>>
      tpu.wait_dma2 semaphore(%run_scoped3A : memref<!tpu.dma_semaphore, #tpu.memory_space<semaphore_mem>>) src(%arg10 : memref<128x24xf32, #tpu.memory_space<vmem>>) dst(%dma_wait3A_46 : memref<128x24xf32, #tpu.memory_space<vmem_shared>>)
      tpu.yield
    }) : () -> ()
    %add3A_11 = arith.constant 512 : i32
    %add3A_12 = arith.addi %mul3A_2, %add3A_11 : i32
    "tpu.region"() ({
      %run_scoped3A = tpu.sem_alloc : memref<!tpu.dma_semaphore, #tpu.memory_space<semaphore_mem>>
      %dma_start3A = arith.constant 0 : i32
      %dma_start3A_41 = arith.constant 0 : i32
      %dma_start3A_42 = tpu.memref_slice %arg10[%dma_start3A, %dma_start3A_41] : memref<128x24xf32, #tpu.memory_space<vmem>> -> memref<120x24xf32, #tpu.memory_space<vmem>>
      %dma_start3A_43 = arith.constant 0 : i32
      %dma_start3A_44 = tpu.memref_slice %arg13[%add3A_12, %dma_start3A_43] : memref<10112x24xf32, #tpu.memory_space<vmem_shared>> -> memref<120x24xf32, #tpu.memory_space<vmem_shared>>
      %dma_start3A_45 = arith.constant 0 : i32
      %dma_start3A_46 = tpu.memref_slice %arg13[%add3A_12, %dma_start3A_45] : memref<10112x24xf32, #tpu.memory_space<vmem_shared>> -> memref<120x24xf32, #tpu.memory_space<vmem_shared>>
      %dma_start3A_47 = arith.constant 0 : i32
      %dma_start3A_48 = arith.constant 0 : i32
      %dma_start3A_49 = tpu.memref_slice %arg10[%dma_start3A_47, %dma_start3A_48] : memref<128x24xf32, #tpu.memory_space<vmem>> -> memref<120x24xf32, #tpu.memory_space<vmem>>
      tpu.enqueue_dma source(%dma_start3A_49 : memref<120x24xf32, #tpu.memory_space<vmem>>) target(%dma_start3A_46 : memref<120x24xf32, #tpu.memory_space<vmem_shared>>) target_semaphore(%run_scoped3A : memref<!tpu.dma_semaphore, #tpu.memory_space<semaphore_mem>>)
      %dma_wait3A = arith.constant 0 : i32
      %dma_wait3A_50 = arith.constant 0 : i32
      %dma_wait3A_51 = tpu.memref_slice %arg10[%dma_wait3A, %dma_wait3A_50] : memref<128x24xf32, #tpu.memory_space<vmem>> -> memref<120x24xf32, #tpu.memory_space<vmem>>
      %dma_wait3A_52 = arith.constant 0 : i32
      %dma_wait3A_53 = tpu.memref_slice %arg13[%add3A_12, %dma_wait3A_52] : memref<10112x24xf32, #tpu.memory_space<vmem_shared>> -> memref<120x24xf32, #tpu.memory_space<vmem_shared>>
      %dma_wait3A_54 = arith.constant 0 : i32
      %dma_wait3A_55 = tpu.memref_slice %arg13[%add3A_12, %dma_wait3A_54] : memref<10112x24xf32, #tpu.memory_space<vmem_shared>> -> memref<120x24xf32, #tpu.memory_space<vmem_shared>>
      %dma_wait3A_56 = arith.constant 0 : i32
      %dma_wait3A_57 = arith.constant 0 : i32
      %dma_wait3A_58 = tpu.memref_slice %arg10[%dma_wait3A_56, %dma_wait3A_57] : memref<128x24xf32, #tpu.memory_space<vmem>> -> memref<120x24xf32, #tpu.memory_space<vmem>>
      tpu.wait_dma2 semaphore(%run_scoped3A : memref<!tpu.dma_semaphore, #tpu.memory_space<semaphore_mem>>) src(%dma_wait3A_58 : memref<120x24xf32, #tpu.memory_space<vmem>>) dst(%dma_wait3A_55 : memref<120x24xf32, #tpu.memory_space<vmem_shared>>)
      tpu.yield
    }) : () -> ()
    %barrier3A = arith.constant 0 : index
    tpu.barrier barrier_id(%barrier3A)
    %mul3A_13 = arith.constant 10368 : i32
    %mul3A_14 = arith.muli %add3A, %mul3A_13 : i32
    %scan3A = arith.constant 0 : i32
    %scan3A_15 = arith.constant 0 : i32
    %scan3A_16 = arith.constant 81 : i32
    %scan3A_17 = arith.addi %scan3A_15, %scan3A_16 : i32
    %scan3A_18 = arith.constant 1 : i32
    scf.for %scan3A_41 = %scan3A_15 to %scan3A_17 step %scan3A_18  : i32 {
      %mul3A_42 = arith.constant 128 : i32
      %mul3A_43 = arith.muli %scan3A_41, %mul3A_42 : i32
      %add3A_44 = arith.addi %mul3A_14, %mul3A_43 : i32
      "tpu.region"() ({
        %run_scoped3A = tpu.sem_alloc : memref<!tpu.dma_semaphore, #tpu.memory_space<semaphore_mem>>
        %dma_start3A_67 = tpu.memref_slice %arg4[%add3A_44] : memref<331776xi32, #tpu.memory_space<hbm>> -> memref<128xi32, #tpu.memory_space<hbm>>
        %dma_start3A_68 = tpu.memref_slice %arg4[%add3A_44] : memref<331776xi32, #tpu.memory_space<hbm>> -> memref<128xi32, #tpu.memory_space<hbm>>
        tpu.enqueue_dma source(%dma_start3A_68 : memref<128xi32, #tpu.memory_space<hbm>>) target(%arg8 : memref<128xi32, #tpu.memory_space<vmem>>) target_semaphore(%run_scoped3A : memref<!tpu.dma_semaphore, #tpu.memory_space<semaphore_mem>>)
        %dma_wait3A_69 = tpu.memref_slice %arg4[%add3A_44] : memref<331776xi32, #tpu.memory_space<hbm>> -> memref<128xi32, #tpu.memory_space<hbm>>
        %dma_wait3A_70 = tpu.memref_slice %arg4[%add3A_44] : memref<331776xi32, #tpu.memory_space<hbm>> -> memref<128xi32, #tpu.memory_space<hbm>>
        tpu.wait_dma2 semaphore(%run_scoped3A : memref<!tpu.dma_semaphore, #tpu.memory_space<semaphore_mem>>) src(%dma_wait3A_70 : memref<128xi32, #tpu.memory_space<hbm>>) dst(%arg8 : memref<128xi32, #tpu.memory_space<vmem>>)
        tpu.yield
      }) : () -> ()
      "tpu.region"() ({
        %run_scoped3A = tpu.sem_alloc : memref<!tpu.dma_semaphore, #tpu.memory_space<semaphore_mem>>
        %dma_start3A_67 = tpu.memref_slice %arg5[%add3A_44] : memref<331776xi32, #tpu.memory_space<hbm>> -> memref<128xi32, #tpu.memory_space<hbm>>
        %dma_start3A_68 = tpu.memref_slice %arg5[%add3A_44] : memref<331776xi32, #tpu.memory_space<hbm>> -> memref<128xi32, #tpu.memory_space<hbm>>
        tpu.enqueue_dma source(%dma_start3A_68 : memref<128xi32, #tpu.memory_space<hbm>>) target(%arg9 : memref<128xi32, #tpu.memory_space<vmem>>) target_semaphore(%run_scoped3A : memref<!tpu.dma_semaphore, #tpu.memory_space<semaphore_mem>>)
        %dma_wait3A_69 = tpu.memref_slice %arg5[%add3A_44] : memref<331776xi32, #tpu.memory_space<hbm>> -> memref<128xi32, #tpu.memory_space<hbm>>
        %dma_wait3A_70 = tpu.memref_slice %arg5[%add3A_44] : memref<331776xi32, #tpu.memory_space<hbm>> -> memref<128xi32, #tpu.memory_space<hbm>>
        tpu.wait_dma2 semaphore(%run_scoped3A : memref<!tpu.dma_semaphore, #tpu.memory_space<semaphore_mem>>) src(%dma_wait3A_70 : memref<128xi32, #tpu.memory_space<hbm>>) dst(%arg9 : memref<128xi32, #tpu.memory_space<vmem>>)
        tpu.yield
      }) : () -> ()
      %dma_start3A = arith.constant 0 : i32
      %dma_start3A_45 = arith.constant 0 : i32
      %dma_start3A_46 = tpu.memref_slice %arg2[%dma_start3A, %dma_start3A_45] : memref<10000x24xf32, #tpu.memory_space<hbm>> -> memref<10000x24xf32, #tpu.memory_space<hbm>>
      tpu.enqueue_indirect_dma source(%dma_start3A_46 : memref<10000x24xf32, #tpu.memory_space<hbm>>) target(%arg10 : memref<128x24xf32, #tpu.memory_space<vmem>>) offsets(%arg8 : memref<128xi32, #tpu.memory_space<vmem>>) semaphore(%arg14 : memref<!tpu.dma_semaphore, #tpu.memory_space<semaphore_mem>>)
      %dma_wait3A = arith.constant 0 : i32
      %dma_wait3A_47 = arith.constant 0 : i32
      %dma_wait3A_48 = tpu.memref_slice %arg2[%dma_wait3A, %dma_wait3A_47] : memref<10000x24xf32, #tpu.memory_space<hbm>> -> memref<10000x24xf32, #tpu.memory_space<hbm>>
      tpu.wait_indirect_dma semaphore(%arg14 : memref<!tpu.dma_semaphore, #tpu.memory_space<semaphore_mem>>) src(%dma_wait3A_48 : memref<10000x24xf32, #tpu.memory_space<hbm>>) dst(%arg10 : memref<128x24xf32, #tpu.memory_space<vmem>>)
      %dma_start3A_49 = arith.constant 0 : i32
      %dma_start3A_50 = arith.constant 0 : i32
      %dma_start3A_51 = tpu.memref_slice %arg3[%dma_start3A_49, %dma_start3A_50] : memref<10016x8xf32, #tpu.memory_space<hbm>> -> memref<10016x8xf32, #tpu.memory_space<hbm>>
      tpu.enqueue_indirect_dma source(%dma_start3A_51 : memref<10016x8xf32, #tpu.memory_space<hbm>>) target(%arg11 : memref<128x8xf32, #tpu.memory_space<vmem>>) offsets(%arg9 : memref<128xi32, #tpu.memory_space<vmem>>) semaphore(%arg14 : memref<!tpu.dma_semaphore, #tpu.memory_space<semaphore_mem>>)
      %dma_wait3A_52 = arith.constant 0 : i32
      %dma_wait3A_53 = arith.constant 0 : i32
      %dma_wait3A_54 = tpu.memref_slice %arg3[%dma_wait3A_52, %dma_wait3A_53] : memref<10016x8xf32, #tpu.memory_space<hbm>> -> memref<10016x8xf32, #tpu.memory_space<hbm>>
      tpu.wait_indirect_dma semaphore(%arg14 : memref<!tpu.dma_semaphore, #tpu.memory_space<semaphore_mem>>) src(%dma_wait3A_54 : memref<10016x8xf32, #tpu.memory_space<hbm>>) dst(%arg11 : memref<128x8xf32, #tpu.memory_space<vmem>>)
      %scan3A_55 = arith.constant 0 : i32
      %scan3A_56 = arith.constant 0 : i32
      %scan3A_57 = arith.constant 8 : i32
      %scan3A_58 = arith.addi %scan3A_56, %scan3A_57 : i32
      %scan3A_59 = arith.constant 1 : i32
      scf.for %scan3A_67 = %scan3A_56 to %scan3A_58 step %scan3A_59  : i32 {
        %mul3A_68 = arith.constant 16 : i32
        %mul3A_69 = arith.muli %mul3A_68, %scan3A_67 : i32
        %add3A_70 = vector.broadcast %mul3A_69 : i32 to vector<16xi32>
        %add3A_71 = arith.addi %add3A_70, %iota3A : vector<16xi32>
        %broadcast_in_dim3A = arith.constant 16 : i32
        %broadcast_in_dim3A_72 = vector.broadcast %broadcast_in_dim3A : i32 to vector<16xi32>
        %gather3A = tpu.vector_load_idx %arg10[%add3A_71, %broadcast_in_dim3A_72] : memref<128x24xf32, #tpu.memory_space<vmem>>[vector<16xi32>, vector<16xi32>], vector<16xf32>,
        %broadcast_in_dim3A_73 = arith.constant 0 : i32
        %broadcast_in_dim3A_74 = vector.broadcast %broadcast_in_dim3A_73 : i32 to vector<16xi32>
        %gather3A_75 = tpu.vector_load_idx %arg11[%add3A_71, %broadcast_in_dim3A_74] : memref<128x8xf32, #tpu.memory_space<vmem>>[vector<16xi32>, vector<16xi32>], vector<16xf32>,
        %add3A_76 = arith.addf %gather3A, %gather3A_75 : vector<16xf32>
        %mul3A_77 = arith.constant 2.000000e-01 : f32
        %mul3A_78 = vector.broadcast %mul3A_77 : f32 to vector<16xf32>
        %mul3A_79 = arith.mulf %mul3A_78, %add3A_76 : vector<16xf32>
        %max3A = arith.maximumf %add3A_76, %mul3A_79 : vector<16xf32>
        %exp3A = math.exp %max3A : vector<16xf32>
        %mul3A_80 = arith.constant 16 : i32
        %mul3A_81 = arith.muli %mul3A_80, %scan3A_67 : i32
        %swap3A = arith.index_cast %mul3A_81 : i32 to index
        %swap3A_82 = tpu.vector_load %arg12[%swap3A] {strides = array<i32>} : memref<1040xf32, #tpu.memory_space<vmem>>, vector<16xf32>,
        tpu.vector_store %arg12[%swap3A], %exp3A {strides = array<i32>} : memref<1040xf32, #tpu.memory_space<vmem>>, vector<16xf32>,
      }
      %scan3A_60 = arith.constant 8 : i32
      %scan3A_61 = arith.constant 0 : i32
      %scan3A_62 = arith.constant 0 : i32
      %scan3A_63 = arith.constant 128 : i32
      %scan3A_64 = arith.addi %scan3A_62, %scan3A_63 : i32
      %scan3A_65 = arith.constant 1 : i32
      scf.for %scan3A_67 = %scan3A_62 to %scan3A_64 step %scan3A_65  : i32 {
        %broadcast_in_dim3A = vector.broadcast %scan3A_67 : i32 to vector<16xi32>
        %broadcast_in_dim3A_68 = vector.broadcast %scan3A_67 : i32 to vector<16xi32>
        %gather3A = tpu.vector_load_idx %arg12[%broadcast_in_dim3A_68] : memref<1040xf32, #tpu.memory_space<vmem>>[vector<16xi32>], vector<16xf32>,
        %get3A = arith.index_cast %scan3A_67 : i32 to index
        %get3A_69 = arith.constant 0 : index
        %get3A_70 = tpu.vector_load %arg10[%get3A, %get3A_69] {strides = array<i32>} : memref<128x24xf32, #tpu.memory_space<vmem>>, vector<16xf32>,
        %mul3A_71 = arith.mulf %get3A_70, %gather3A : vector<16xf32>
        %swap3A = arith.index_cast %scan3A_67 : i32 to index
        %swap3A_72 = arith.constant 0 : index
        %swap3A_73 = tpu.vector_load %arg10[%swap3A, %swap3A_72] {strides = array<i32>} : memref<128x24xf32, #tpu.memory_space<vmem>>, vector<16xf32>,
        tpu.vector_store %arg10[%swap3A, %swap3A_72], %mul3A_71 {strides = array<i32>} : memref<128x24xf32, #tpu.memory_space<vmem>>, vector<16xf32>,
        %add3A_74 = arith.constant 16 : i32
        %add3A_75 = vector.broadcast %add3A_74 : i32 to vector<16xi32>
        %add3A_76 = arith.addi %add3A_75, %iota3A : vector<16xi32>
        %lt3A = arith.constant 8 : i32
        %lt3A_77 = vector.broadcast %lt3A : i32 to vector<16xi32>
        %lt3A_78 = arith.cmpi slt, %iota3A, %lt3A_77 : vector<16xi32>
        tpu.vector_store_idx %arg10[%broadcast_in_dim3A, %add3A_76], %gather3A masked %lt3A_78 : memref<128x24xf32, #tpu.memory_space<vmem>>[vector<16xi32>, vector<16xi32>], vector<16xf32>, vector<16xi1>
      }
      %scan3A_66 = arith.constant 128 : i32
      "tpu.region"() ({
        %run_scoped3A = tpu.sem_alloc : memref<!tpu.dma_semaphore, #tpu.memory_space<semaphore_mem>>
        %dma_start3A_67 = arith.constant 0 : i32
        %dma_start3A_68 = arith.constant 0 : i32
        %dma_start3A_69 = tpu.memref_slice %arg13[%dma_start3A_67, %dma_start3A_68] : memref<10112x24xf32, #tpu.memory_space<vmem_shared>> -> memref<10112x24xf32, #tpu.memory_space<vmem_shared>>
        tpu.enqueue_indirect_dma source(%arg10 : memref<128x24xf32, #tpu.memory_space<vmem>>) target(%dma_start3A_69 : memref<10112x24xf32, #tpu.memory_space<vmem_shared>>) offsets(%arg9 : memref<128xi32, #tpu.memory_space<vmem>>) semaphore(%run_scoped3A : memref<!tpu.dma_semaphore, #tpu.memory_space<semaphore_mem>>) {add = true}
        %dma_wait3A_70 = arith.constant 0 : i32
        %dma_wait3A_71 = arith.constant 0 : i32
        %dma_wait3A_72 = tpu.memref_slice %arg13[%dma_wait3A_70, %dma_wait3A_71] : memref<10112x24xf32, #tpu.memory_space<vmem_shared>> -> memref<10112x24xf32, #tpu.memory_space<vmem_shared>>
        tpu.wait_indirect_dma semaphore(%run_scoped3A : memref<!tpu.dma_semaphore, #tpu.memory_space<semaphore_mem>>) src(%arg10 : memref<128x24xf32, #tpu.memory_space<vmem>>) dst(%dma_wait3A_72 : memref<10112x24xf32, #tpu.memory_space<vmem_shared>>)
        tpu.yield
      }) : () -> ()
    }
    %scan3A_19 = arith.constant 81 : i32
    %barrier3A_20 = arith.constant 0 : index
    tpu.barrier barrier_id(%barrier3A_20)
    %add3A_21 = arith.constant 0 : i32
    %add3A_22 = arith.addi %mul3A_2, %add3A_21 : i32
    "tpu.region"() ({
      %run_scoped3A = tpu.sem_alloc : memref<!tpu.dma_semaphore, #tpu.memory_space<semaphore_mem>>
      %dma_start3A = arith.constant 0 : i32
      %dma_start3A_41 = tpu.memref_slice %arg13[%add3A_22, %dma_start3A] : memref<10112x24xf32, #tpu.memory_space<vmem_shared>> -> memref<128x24xf32, #tpu.memory_space<vmem_shared>>
      %dma_start3A_42 = arith.constant 0 : i32
      %dma_start3A_43 = tpu.memref_slice %arg13[%add3A_22, %dma_start3A_42] : memref<10112x24xf32, #tpu.memory_space<vmem_shared>> -> memref<128x24xf32, #tpu.memory_space<vmem_shared>>
      tpu.enqueue_dma source(%dma_start3A_43 : memref<128x24xf32, #tpu.memory_space<vmem_shared>>) target(%arg10 : memref<128x24xf32, #tpu.memory_space<vmem>>) target_semaphore(%run_scoped3A : memref<!tpu.dma_semaphore, #tpu.memory_space<semaphore_mem>>)
      %dma_wait3A = arith.constant 0 : i32
      %dma_wait3A_44 = tpu.memref_slice %arg13[%add3A_22, %dma_wait3A] : memref<10112x24xf32, #tpu.memory_space<vmem_shared>> -> memref<128x24xf32, #tpu.memory_space<vmem_shared>>
      %dma_wait3A_45 = arith.constant 0 : i32
      %dma_wait3A_46 = tpu.memref_slice %arg13[%add3A_22, %dma_wait3A_45] : memref<10112x24xf32, #tpu.memory_space<vmem_shared>> -> memref<128x24xf32, #tpu.memory_space<vmem_shared>>
      tpu.wait_dma2 semaphore(%run_scoped3A : memref<!tpu.dma_semaphore, #tpu.memory_space<semaphore_mem>>) src(%dma_wait3A_46 : memref<128x24xf32, #tpu.memory_space<vmem_shared>>) dst(%arg10 : memref<128x24xf32, #tpu.memory_space<vmem>>)
      tpu.yield
    }) : () -> ()
    %add3A_23 = arith.constant 0 : i32
    %add3A_24 = arith.addi %mul3A_2, %add3A_23 : i32
    "tpu.region"() ({
      %run_scoped3A = tpu.sem_alloc : memref<!tpu.dma_semaphore, #tpu.memory_space<semaphore_mem>>
      %dma_start3A = arith.constant 0 : i32
      %dma_start3A_41 = tpu.memref_slice %arg7[%arg0, %add3A_24, %dma_start3A] : memref<2x10112x24xf32, #tpu.memory_space<hbm>> -> memref<1x128x24xf32, #tpu.memory_space<hbm>>
      %dma_start3A_42 = tpu.memref_squeeze %dma_start3A_41 : memref<1x128x24xf32, #tpu.memory_space<hbm>> -> memref<128x24xf32, #tpu.memory_space<hbm>>
      %dma_start3A_43 = arith.constant 0 : i32
      %dma_start3A_44 = tpu.memref_slice %arg7[%arg0, %add3A_24, %dma_start3A_43] : memref<2x10112x24xf32, #tpu.memory_space<hbm>> -> memref<1x128x24xf32, #tpu.memory_space<hbm>>
      %dma_start3A_45 = tpu.memref_squeeze %dma_start3A_44 : memref<1x128x24xf32, #tpu.memory_space<hbm>> -> memref<128x24xf32, #tpu.memory_space<hbm>>
      tpu.enqueue_dma source(%arg10 : memref<128x24xf32, #tpu.memory_space<vmem>>) target(%dma_start3A_45 : memref<128x24xf32, #tpu.memory_space<hbm>>) target_semaphore(%run_scoped3A : memref<!tpu.dma_semaphore, #tpu.memory_space<semaphore_mem>>)
      %dma_wait3A = arith.constant 0 : i32
      %dma_wait3A_46 = tpu.memref_slice %arg7[%arg0, %add3A_24, %dma_wait3A] : memref<2x10112x24xf32, #tpu.memory_space<hbm>> -> memref<1x128x24xf32, #tpu.memory_space<hbm>>
      %dma_wait3A_47 = tpu.memref_squeeze %dma_wait3A_46 : memref<1x128x24xf32, #tpu.memory_space<hbm>> -> memref<128x24xf32, #tpu.memory_space<hbm>>
      %dma_wait3A_48 = arith.constant 0 : i32
      %dma_wait3A_49 = tpu.memref_slice %arg7[%arg0, %add3A_24, %dma_wait3A_48] : memref<2x10112x24xf32, #tpu.memory_space<hbm>> -> memref<1x128x24xf32, #tpu.memory_space<hbm>>
      %dma_wait3A_50 = tpu.memref_squeeze %dma_wait3A_49 : memref<1x128x24xf32, #tpu.memory_space<hbm>> -> memref<128x24xf32, #tpu.memory_space<hbm>>
      tpu.wait_dma2 semaphore(%run_scoped3A : memref<!tpu.dma_semaphore, #tpu.memory_space<semaphore_mem>>) src(%arg10 : memref<128x24xf32, #tpu.memory_space<vmem>>) dst(%dma_wait3A_50 : memref<128x24xf32, #tpu.memory_space<hbm>>)
      tpu.yield
    }) : () -> ()
    %add3A_25 = arith.constant 128 : i32
    %add3A_26 = arith.addi %mul3A_2, %add3A_25 : i32
    "tpu.region"() ({
      %run_scoped3A = tpu.sem_alloc : memref<!tpu.dma_semaphore, #tpu.memory_space<semaphore_mem>>
      %dma_start3A = arith.constant 0 : i32
      %dma_start3A_41 = tpu.memref_slice %arg13[%add3A_26, %dma_start3A] : memref<10112x24xf32, #tpu.memory_space<vmem_shared>> -> memref<128x24xf32, #tpu.memory_space<vmem_shared>>
      %dma_start3A_42 = arith.constant 0 : i32
      %dma_start3A_43 = tpu.memref_slice %arg13[%add3A_26, %dma_start3A_42] : memref<10112x24xf32, #tpu.memory_space<vmem_shared>> -> memref<128x24xf32, #tpu.memory_space<vmem_shared>>
      tpu.enqueue_dma source(%dma_start3A_43 : memref<128x24xf32, #tpu.memory_space<vmem_shared>>) target(%arg10 : memref<128x24xf32, #tpu.memory_space<vmem>>) target_semaphore(%run_scoped3A : memref<!tpu.dma_semaphore, #tpu.memory_space<semaphore_mem>>)
      %dma_wait3A = arith.constant 0 : i32
      %dma_wait3A_44 = tpu.memref_slice %arg13[%add3A_26, %dma_wait3A] : memref<10112x24xf32, #tpu.memory_space<vmem_shared>> -> memref<128x24xf32, #tpu.memory_space<vmem_shared>>
      %dma_wait3A_45 = arith.constant 0 : i32
      %dma_wait3A_46 = tpu.memref_slice %arg13[%add3A_26, %dma_wait3A_45] : memref<10112x24xf32, #tpu.memory_space<vmem_shared>> -> memref<128x24xf32, #tpu.memory_space<vmem_shared>>
      tpu.wait_dma2 semaphore(%run_scoped3A : memref<!tpu.dma_semaphore, #tpu.memory_space<semaphore_mem>>) src(%dma_wait3A_46 : memref<128x24xf32, #tpu.memory_space<vmem_shared>>) dst(%arg10 : memref<128x24xf32, #tpu.memory_space<vmem>>)
      tpu.yield
    }) : () -> ()
    %add3A_27 = arith.constant 128 : i32
    %add3A_28 = arith.addi %mul3A_2, %add3A_27 : i32
    "tpu.region"() ({
      %run_scoped3A = tpu.sem_alloc : memref<!tpu.dma_semaphore, #tpu.memory_space<semaphore_mem>>
      %dma_start3A = arith.constant 0 : i32
      %dma_start3A_41 = tpu.memref_slice %arg7[%arg0, %add3A_28, %dma_start3A] : memref<2x10112x24xf32, #tpu.memory_space<hbm>> -> memref<1x128x24xf32, #tpu.memory_space<hbm>>
      %dma_start3A_42 = tpu.memref_squeeze %dma_start3A_41 : memref<1x128x24xf32, #tpu.memory_space<hbm>> -> memref<128x24xf32, #tpu.memory_space<hbm>>
      %dma_start3A_43 = arith.constant 0 : i32
      %dma_start3A_44 = tpu.memref_slice %arg7[%arg0, %add3A_28, %dma_start3A_43] : memref<2x10112x24xf32, #tpu.memory_space<hbm>> -> memref<1x128x24xf32, #tpu.memory_space<hbm>>
      %dma_start3A_45 = tpu.memref_squeeze %dma_start3A_44 : memref<1x128x24xf32, #tpu.memory_space<hbm>> -> memref<128x24xf32, #tpu.memory_space<hbm>>
      tpu.enqueue_dma source(%arg10 : memref<128x24xf32, #tpu.memory_space<vmem>>) target(%dma_start3A_45 : memref<128x24xf32, #tpu.memory_space<hbm>>) target_semaphore(%run_scoped3A : memref<!tpu.dma_semaphore, #tpu.memory_space<semaphore_mem>>)
      %dma_wait3A = arith.constant 0 : i32
      %dma_wait3A_46 = tpu.memref_slice %arg7[%arg0, %add3A_28, %dma_wait3A] : memref<2x10112x24xf32, #tpu.memory_space<hbm>> -> memref<1x128x24xf32, #tpu.memory_space<hbm>>
      %dma_wait3A_47 = tpu.memref_squeeze %dma_wait3A_46 : memref<1x128x24xf32, #tpu.memory_space<hbm>> -> memref<128x24xf32, #tpu.memory_space<hbm>>
      %dma_wait3A_48 = arith.constant 0 : i32
      %dma_wait3A_49 = tpu.memref_slice %arg7[%arg0, %add3A_28, %dma_wait3A_48] : memref<2x10112x24xf32, #tpu.memory_space<hbm>> -> memref<1x128x24xf32, #tpu.memory_space<hbm>>
      %dma_wait3A_50 = tpu.memref_squeeze %dma_wait3A_49 : memref<1x128x24xf32, #tpu.memory_space<hbm>> -> memref<128x24xf32, #tpu.memory_space<hbm>>
      tpu.wait_dma2 semaphore(%run_scoped3A : memref<!tpu.dma_semaphore, #tpu.memory_space<semaphore_mem>>) src(%arg10 : memref<128x24xf32, #tpu.memory_space<vmem>>) dst(%dma_wait3A_50 : memref<128x24xf32, #tpu.memory_space<hbm>>)
      tpu.yield
    }) : () -> ()
    %add3A_29 = arith.constant 256 : i32
    %add3A_30 = arith.addi %mul3A_2, %add3A_29 : i32
    "tpu.region"() ({
      %run_scoped3A = tpu.sem_alloc : memref<!tpu.dma_semaphore, #tpu.memory_space<semaphore_mem>>
      %dma_start3A = arith.constant 0 : i32
      %dma_start3A_41 = tpu.memref_slice %arg13[%add3A_30, %dma_start3A] : memref<10112x24xf32, #tpu.memory_space<vmem_shared>> -> memref<128x24xf32, #tpu.memory_space<vmem_shared>>
      %dma_start3A_42 = arith.constant 0 : i32
      %dma_start3A_43 = tpu.memref_slice %arg13[%add3A_30, %dma_start3A_42] : memref<10112x24xf32, #tpu.memory_space<vmem_shared>> -> memref<128x24xf32, #tpu.memory_space<vmem_shared>>
      tpu.enqueue_dma source(%dma_start3A_43 : memref<128x24xf32, #tpu.memory_space<vmem_shared>>) target(%arg10 : memref<128x24xf32, #tpu.memory_space<vmem>>) target_semaphore(%run_scoped3A : memref<!tpu.dma_semaphore, #tpu.memory_space<semaphore_mem>>)
      %dma_wait3A = arith.constant 0 : i32
      %dma_wait3A_44 = tpu.memref_slice %arg13[%add3A_30, %dma_wait3A] : memref<10112x24xf32, #tpu.memory_space<vmem_shared>> -> memref<128x24xf32, #tpu.memory_space<vmem_shared>>
      %dma_wait3A_45 = arith.constant 0 : i32
      %dma_wait3A_46 = tpu.memref_slice %arg13[%add3A_30, %dma_wait3A_45] : memref<10112x24xf32, #tpu.memory_space<vmem_shared>> -> memref<128x24xf32, #tpu.memory_space<vmem_shared>>
      tpu.wait_dma2 semaphore(%run_scoped3A : memref<!tpu.dma_semaphore, #tpu.memory_space<semaphore_mem>>) src(%dma_wait3A_46 : memref<128x24xf32, #tpu.memory_space<vmem_shared>>) dst(%arg10 : memref<128x24xf32, #tpu.memory_space<vmem>>)
      tpu.yield
    }) : () -> ()
    %add3A_31 = arith.constant 256 : i32
    %add3A_32 = arith.addi %mul3A_2, %add3A_31 : i32
    "tpu.region"() ({
      %run_scoped3A = tpu.sem_alloc : memref<!tpu.dma_semaphore, #tpu.memory_space<semaphore_mem>>
      %dma_start3A = arith.constant 0 : i32
      %dma_start3A_41 = tpu.memref_slice %arg7[%arg0, %add3A_32, %dma_start3A] : memref<2x10112x24xf32, #tpu.memory_space<hbm>> -> memref<1x128x24xf32, #tpu.memory_space<hbm>>
      %dma_start3A_42 = tpu.memref_squeeze %dma_start3A_41 : memref<1x128x24xf32, #tpu.memory_space<hbm>> -> memref<128x24xf32, #tpu.memory_space<hbm>>
      %dma_start3A_43 = arith.constant 0 : i32
      %dma_start3A_44 = tpu.memref_slice %arg7[%arg0, %add3A_32, %dma_start3A_43] : memref<2x10112x24xf32, #tpu.memory_space<hbm>> -> memref<1x128x24xf32, #tpu.memory_space<hbm>>
      %dma_start3A_45 = tpu.memref_squeeze %dma_start3A_44 : memref<1x128x24xf32, #tpu.memory_space<hbm>> -> memref<128x24xf32, #tpu.memory_space<hbm>>
      tpu.enqueue_dma source(%arg10 : memref<128x24xf32, #tpu.memory_space<vmem>>) target(%dma_start3A_45 : memref<128x24xf32, #tpu.memory_space<hbm>>) target_semaphore(%run_scoped3A : memref<!tpu.dma_semaphore, #tpu.memory_space<semaphore_mem>>)
      %dma_wait3A = arith.constant 0 : i32
      %dma_wait3A_46 = tpu.memref_slice %arg7[%arg0, %add3A_32, %dma_wait3A] : memref<2x10112x24xf32, #tpu.memory_space<hbm>> -> memref<1x128x24xf32, #tpu.memory_space<hbm>>
      %dma_wait3A_47 = tpu.memref_squeeze %dma_wait3A_46 : memref<1x128x24xf32, #tpu.memory_space<hbm>> -> memref<128x24xf32, #tpu.memory_space<hbm>>
      %dma_wait3A_48 = arith.constant 0 : i32
      %dma_wait3A_49 = tpu.memref_slice %arg7[%arg0, %add3A_32, %dma_wait3A_48] : memref<2x10112x24xf32, #tpu.memory_space<hbm>> -> memref<1x128x24xf32, #tpu.memory_space<hbm>>
      %dma_wait3A_50 = tpu.memref_squeeze %dma_wait3A_49 : memref<1x128x24xf32, #tpu.memory_space<hbm>> -> memref<128x24xf32, #tpu.memory_space<hbm>>
      tpu.wait_dma2 semaphore(%run_scoped3A : memref<!tpu.dma_semaphore, #tpu.memory_space<semaphore_mem>>) src(%arg10 : memref<128x24xf32, #tpu.memory_space<vmem>>) dst(%dma_wait3A_50 : memref<128x24xf32, #tpu.memory_space<hbm>>)
      tpu.yield
    }) : () -> ()
    %add3A_33 = arith.constant 384 : i32
    %add3A_34 = arith.addi %mul3A_2, %add3A_33 : i32
    "tpu.region"() ({
      %run_scoped3A = tpu.sem_alloc : memref<!tpu.dma_semaphore, #tpu.memory_space<semaphore_mem>>
      %dma_start3A = arith.constant 0 : i32
      %dma_start3A_41 = tpu.memref_slice %arg13[%add3A_34, %dma_start3A] : memref<10112x24xf32, #tpu.memory_space<vmem_shared>> -> memref<128x24xf32, #tpu.memory_space<vmem_shared>>
      %dma_start3A_42 = arith.constant 0 : i32
      %dma_start3A_43 = tpu.memref_slice %arg13[%add3A_34, %dma_start3A_42] : memref<10112x24xf32, #tpu.memory_space<vmem_shared>> -> memref<128x24xf32, #tpu.memory_space<vmem_shared>>
      tpu.enqueue_dma source(%dma_start3A_43 : memref<128x24xf32, #tpu.memory_space<vmem_shared>>) target(%arg10 : memref<128x24xf32, #tpu.memory_space<vmem>>) target_semaphore(%run_scoped3A : memref<!tpu.dma_semaphore, #tpu.memory_space<semaphore_mem>>)
      %dma_wait3A = arith.constant 0 : i32
      %dma_wait3A_44 = tpu.memref_slice %arg13[%add3A_34, %dma_wait3A] : memref<10112x24xf32, #tpu.memory_space<vmem_shared>> -> memref<128x24xf32, #tpu.memory_space<vmem_shared>>
      %dma_wait3A_45 = arith.constant 0 : i32
      %dma_wait3A_46 = tpu.memref_slice %arg13[%add3A_34, %dma_wait3A_45] : memref<10112x24xf32, #tpu.memory_space<vmem_shared>> -> memref<128x24xf32, #tpu.memory_space<vmem_shared>>
      tpu.wait_dma2 semaphore(%run_scoped3A : memref<!tpu.dma_semaphore, #tpu.memory_space<semaphore_mem>>) src(%dma_wait3A_46 : memref<128x24xf32, #tpu.memory_space<vmem_shared>>) dst(%arg10 : memref<128x24xf32, #tpu.memory_space<vmem>>)
      tpu.yield
    }) : () -> ()
    %add3A_35 = arith.constant 384 : i32
    %add3A_36 = arith.addi %mul3A_2, %add3A_35 : i32
    "tpu.region"() ({
      %run_scoped3A = tpu.sem_alloc : memref<!tpu.dma_semaphore, #tpu.memory_space<semaphore_mem>>
      %dma_start3A = arith.constant 0 : i32
      %dma_start3A_41 = tpu.memref_slice %arg7[%arg0, %add3A_36, %dma_start3A] : memref<2x10112x24xf32, #tpu.memory_space<hbm>> -> memref<1x128x24xf32, #tpu.memory_space<hbm>>
      %dma_start3A_42 = tpu.memref_squeeze %dma_start3A_41 : memref<1x128x24xf32, #tpu.memory_space<hbm>> -> memref<128x24xf32, #tpu.memory_space<hbm>>
      %dma_start3A_43 = arith.constant 0 : i32
      %dma_start3A_44 = tpu.memref_slice %arg7[%arg0, %add3A_36, %dma_start3A_43] : memref<2x10112x24xf32, #tpu.memory_space<hbm>> -> memref<1x128x24xf32, #tpu.memory_space<hbm>>
      %dma_start3A_45 = tpu.memref_squeeze %dma_start3A_44 : memref<1x128x24xf32, #tpu.memory_space<hbm>> -> memref<128x24xf32, #tpu.memory_space<hbm>>
      tpu.enqueue_dma source(%arg10 : memref<128x24xf32, #tpu.memory_space<vmem>>) target(%dma_start3A_45 : memref<128x24xf32, #tpu.memory_space<hbm>>) target_semaphore(%run_scoped3A : memref<!tpu.dma_semaphore, #tpu.memory_space<semaphore_mem>>)
      %dma_wait3A = arith.constant 0 : i32
      %dma_wait3A_46 = tpu.memref_slice %arg7[%arg0, %add3A_36, %dma_wait3A] : memref<2x10112x24xf32, #tpu.memory_space<hbm>> -> memref<1x128x24xf32, #tpu.memory_space<hbm>>
      %dma_wait3A_47 = tpu.memref_squeeze %dma_wait3A_46 : memref<1x128x24xf32, #tpu.memory_space<hbm>> -> memref<128x24xf32, #tpu.memory_space<hbm>>
      %dma_wait3A_48 = arith.constant 0 : i32
      %dma_wait3A_49 = tpu.memref_slice %arg7[%arg0, %add3A_36, %dma_wait3A_48] : memref<2x10112x24xf32, #tpu.memory_space<hbm>> -> memref<1x128x24xf32, #tpu.memory_space<hbm>>
      %dma_wait3A_50 = tpu.memref_squeeze %dma_wait3A_49 : memref<1x128x24xf32, #tpu.memory_space<hbm>> -> memref<128x24xf32, #tpu.memory_space<hbm>>
      tpu.wait_dma2 semaphore(%run_scoped3A : memref<!tpu.dma_semaphore, #tpu.memory_space<semaphore_mem>>) src(%arg10 : memref<128x24xf32, #tpu.memory_space<vmem>>) dst(%dma_wait3A_50 : memref<128x24xf32, #tpu.memory_space<hbm>>)
      tpu.yield
    }) : () -> ()
    %add3A_37 = arith.constant 512 : i32
    %add3A_38 = arith.addi %mul3A_2, %add3A_37 : i32
    "tpu.region"() ({
      %run_scoped3A = tpu.sem_alloc : memref<!tpu.dma_semaphore, #tpu.memory_space<semaphore_mem>>
      %dma_start3A = arith.constant 0 : i32
      %dma_start3A_41 = arith.constant 0 : i32
      %dma_start3A_42 = tpu.memref_slice %arg10[%dma_start3A, %dma_start3A_41] : memref<128x24xf32, #tpu.memory_space<vmem>> -> memref<120x24xf32, #tpu.memory_space<vmem>>
      %dma_start3A_43 = arith.constant 0 : i32
      %dma_start3A_44 = tpu.memref_slice %arg13[%add3A_38, %dma_start3A_43] : memref<10112x24xf32, #tpu.memory_space<vmem_shared>> -> memref<120x24xf32, #tpu.memory_space<vmem_shared>>
      %dma_start3A_45 = arith.constant 0 : i32
      %dma_start3A_46 = arith.constant 0 : i32
      %dma_start3A_47 = tpu.memref_slice %arg10[%dma_start3A_45, %dma_start3A_46] : memref<128x24xf32, #tpu.memory_space<vmem>> -> memref<120x24xf32, #tpu.memory_space<vmem>>
      %dma_start3A_48 = arith.constant 0 : i32
      %dma_start3A_49 = tpu.memref_slice %arg13[%add3A_38, %dma_start3A_48] : memref<10112x24xf32, #tpu.memory_space<vmem_shared>> -> memref<120x24xf32, #tpu.memory_space<vmem_shared>>
      tpu.enqueue_dma source(%dma_start3A_49 : memref<120x24xf32, #tpu.memory_space<vmem_shared>>) target(%dma_start3A_47 : memref<120x24xf32, #tpu.memory_space<vmem>>) target_semaphore(%run_scoped3A : memref<!tpu.dma_semaphore, #tpu.memory_space<semaphore_mem>>)
      %dma_wait3A = arith.constant 0 : i32
      %dma_wait3A_50 = arith.constant 0 : i32
      %dma_wait3A_51 = tpu.memref_slice %arg10[%dma_wait3A, %dma_wait3A_50] : memref<128x24xf32, #tpu.memory_space<vmem>> -> memref<120x24xf32, #tpu.memory_space<vmem>>
      %dma_wait3A_52 = arith.constant 0 : i32
      %dma_wait3A_53 = tpu.memref_slice %arg13[%add3A_38, %dma_wait3A_52] : memref<10112x24xf32, #tpu.memory_space<vmem_shared>> -> memref<120x24xf32, #tpu.memory_space<vmem_shared>>
      %dma_wait3A_54 = arith.constant 0 : i32
      %dma_wait3A_55 = arith.constant 0 : i32
      %dma_wait3A_56 = tpu.memref_slice %arg10[%dma_wait3A_54, %dma_wait3A_55] : memref<128x24xf32, #tpu.memory_space<vmem>> -> memref<120x24xf32, #tpu.memory_space<vmem>>
      %dma_wait3A_57 = arith.constant 0 : i32
      %dma_wait3A_58 = tpu.memref_slice %arg13[%add3A_38, %dma_wait3A_57] : memref<10112x24xf32, #tpu.memory_space<vmem_shared>> -> memref<120x24xf32, #tpu.memory_space<vmem_shared>>
      tpu.wait_dma2 semaphore(%run_scoped3A : memref<!tpu.dma_semaphore, #tpu.memory_space<semaphore_mem>>) src(%dma_wait3A_58 : memref<120x24xf32, #tpu.memory_space<vmem_shared>>) dst(%dma_wait3A_56 : memref<120x24xf32, #tpu.memory_space<vmem>>)
      tpu.yield
    }) : () -> ()
    %add3A_39 = arith.constant 512 : i32
    %add3A_40 = arith.addi %mul3A_2, %add3A_39 : i32
    "tpu.region"() ({
      %run_scoped3A = tpu.sem_alloc : memref<!tpu.dma_semaphore, #tpu.memory_space<semaphore_mem>>
      %dma_start3A = arith.constant 0 : i32
      %dma_start3A_41 = arith.constant 0 : i32
      %dma_start3A_42 = tpu.memref_slice %arg10[%dma_start3A, %dma_start3A_41] : memref<128x24xf32, #tpu.memory_space<vmem>> -> memref<120x24xf32, #tpu.memory_space<vmem>>
      %dma_start3A_43 = arith.constant 0 : i32
      %dma_start3A_44 = tpu.memref_slice %arg7[%arg0, %add3A_40, %dma_start3A_43] : memref<2x10112x24xf32, #tpu.memory_space<hbm>> -> memref<1x120x24xf32, #tpu.memory_space<hbm>>
      %dma_start3A_45 = tpu.memref_squeeze %dma_start3A_44 : memref<1x120x24xf32, #tpu.memory_space<hbm>> -> memref<120x24xf32, #tpu.memory_space<hbm>>
      %dma_start3A_46 = arith.constant 0 : i32
      %dma_start3A_47 = tpu.memref_slice %arg7[%arg0, %add3A_40, %dma_start3A_46] : memref<2x10112x24xf32, #tpu.memory_space<hbm>> -> memref<1x120x24xf32, #tpu.memory_space<hbm>>
      %dma_start3A_48 = tpu.memref_squeeze %dma_start3A_47 : memref<1x120x24xf32, #tpu.memory_space<hbm>> -> memref<120x24xf32, #tpu.memory_space<hbm>>
      %dma_start3A_49 = arith.constant 0 : i32
      %dma_start3A_50 = arith.constant 0 : i32
      %dma_start3A_51 = tpu.memref_slice %arg10[%dma_start3A_49, %dma_start3A_50] : memref<128x24xf32, #tpu.memory_space<vmem>> -> memref<120x24xf32, #tpu.memory_space<vmem>>
      tpu.enqueue_dma source(%dma_start3A_51 : memref<120x24xf32, #tpu.memory_space<vmem>>) target(%dma_start3A_48 : memref<120x24xf32, #tpu.memory_space<hbm>>) target_semaphore(%run_scoped3A : memref<!tpu.dma_semaphore, #tpu.memory_space<semaphore_mem>>)
      %dma_wait3A = arith.constant 0 : i32
      %dma_wait3A_52 = arith.constant 0 : i32
      %dma_wait3A_53 = tpu.memref_slice %arg10[%dma_wait3A, %dma_wait3A_52] : memref<128x24xf32, #tpu.memory_space<vmem>> -> memref<120x24xf32, #tpu.memory_space<vmem>>
      %dma_wait3A_54 = arith.constant 0 : i32
      %dma_wait3A_55 = tpu.memref_slice %arg7[%arg0, %add3A_40, %dma_wait3A_54] : memref<2x10112x24xf32, #tpu.memory_space<hbm>> -> memref<1x120x24xf32, #tpu.memory_space<hbm>>
      %dma_wait3A_56 = tpu.memref_squeeze %dma_wait3A_55 : memref<1x120x24xf32, #tpu.memory_space<hbm>> -> memref<120x24xf32, #tpu.memory_space<hbm>>
      %dma_wait3A_57 = arith.constant 0 : i32
      %dma_wait3A_58 = tpu.memref_slice %arg7[%arg0, %add3A_40, %dma_wait3A_57] : memref<2x10112x24xf32, #tpu.memory_space<hbm>> -> memref<1x120x24xf32, #tpu.memory_space<hbm>>
      %dma_wait3A_59 = tpu.memref_squeeze %dma_wait3A_58 : memref<1x120x24xf32, #tpu.memory_space<hbm>> -> memref<120x24xf32, #tpu.memory_space<hbm>>
      %dma_wait3A_60 = arith.constant 0 : i32
      %dma_wait3A_61 = arith.constant 0 : i32
      %dma_wait3A_62 = tpu.memref_slice %arg10[%dma_wait3A_60, %dma_wait3A_61] : memref<128x24xf32, #tpu.memory_space<vmem>> -> memref<120x24xf32, #tpu.memory_space<vmem>>
      tpu.wait_dma2 semaphore(%run_scoped3A : memref<!tpu.dma_semaphore, #tpu.memory_space<semaphore_mem>>) src(%dma_wait3A_62 : memref<120x24xf32, #tpu.memory_space<vmem>>) dst(%dma_wait3A_59 : memref<120x24xf32, #tpu.memory_space<hbm>>)
      tpu.yield
    }) : () -> ()
    return
  }
}

#map = affine_map<(d0, d1) -> (0, 0)>
#map1 = affine_map<(d0, d1) -> (0)>
#map2 = affine_map<(d0, d1) -> (0, 0, 0)>
module attributes {stable_mosaic.version = 14 : i64} {
  func.func @_sc_edge_body(%arg0: i32, %arg1: i32, %arg2: memref<10000x80xf32, #tpu.memory_space<hbm>>, %arg3: memref<10016x8xf32, #tpu.memory_space<hbm>>, %arg4: memref<331776xi32, #tpu.memory_space<hbm>>, %arg5: memref<331776xi32, #tpu.memory_space<hbm>>, %arg6: memref<128x80xf32, #tpu.memory_space<hbm>>, %arg7: memref<2x10112x80xf32, #tpu.memory_space<hbm>>, %arg8: memref<128xi32, #tpu.memory_space<vmem>>, %arg9: memref<128xi32, #tpu.memory_space<vmem>>, %arg10: memref<128x80xf32, #tpu.memory_space<vmem>>, %arg11: memref<128x8xf32, #tpu.memory_space<vmem>>, %arg12: memref<1040xf32, #tpu.memory_space<vmem>>, %arg13: memref<10112x80xf32, #tpu.memory_space<vmem_shared>>, %arg14: memref<!tpu.dma_semaphore, #tpu.memory_space<semaphore_mem>>) attributes {dimension_semantics = [#tpu.dimension_semantics<core_parallel>, #tpu.dimension_semantics<subcore_parallel>], iteration_bounds = array<i64: 2, 16>, scalar_prefetch = 0 : i64, scratch_operands = 7 : i64, tpu.core_type = #tpu.core_type<sc_vector_subcore>, window_params = [{transform_indices = #map}, {transform_indices = #map}, {transform_indices = #map1}, {transform_indices = #map1}, {transform_indices = #map}, {transform_indices = #map2}]} {
    %mul3A = arith.constant 2 : i32
    %mul3A_0 = arith.muli %arg1, %mul3A : i32
    %add3A = arith.addi %mul3A_0, %arg0 : i32
    %iota3A = tpu.iota {dimensions = array<i32: 0>} : vector<16xi32>
    "tpu.region"() ({
      %run_scoped3A = tpu.sem_alloc : memref<!tpu.dma_semaphore, #tpu.memory_space<semaphore_mem>>
      tpu.enqueue_dma source(%arg6 : memref<128x80xf32, #tpu.memory_space<hbm>>) target(%arg10 : memref<128x80xf32, #tpu.memory_space<vmem>>) target_semaphore(%run_scoped3A : memref<!tpu.dma_semaphore, #tpu.memory_space<semaphore_mem>>)
      tpu.wait_dma2 semaphore(%run_scoped3A : memref<!tpu.dma_semaphore, #tpu.memory_space<semaphore_mem>>) src(%arg6 : memref<128x80xf32, #tpu.memory_space<hbm>>) dst(%arg10 : memref<128x80xf32, #tpu.memory_space<vmem>>)
      tpu.yield
    }) : () -> ()
    %mul3A_1 = arith.constant 632 : i32
    %mul3A_2 = arith.muli %arg1, %mul3A_1 : i32
    %add3A_3 = arith.constant 0 : i32
    %add3A_4 = arith.addi %mul3A_2, %add3A_3 : i32
    "tpu.region"() ({
      %run_scoped3A = tpu.sem_alloc : memref<!tpu.dma_semaphore, #tpu.memory_space<semaphore_mem>>
      %dma_start3A = arith.constant 0 : i32
      %dma_start3A_41 = tpu.memref_slice %arg13[%add3A_4, %dma_start3A] : memref<10112x80xf32, #tpu.memory_space<vmem_shared>> -> memref<128x80xf32, #tpu.memory_space<vmem_shared>>
      %dma_start3A_42 = arith.constant 0 : i32
      %dma_start3A_43 = tpu.memref_slice %arg13[%add3A_4, %dma_start3A_42] : memref<10112x80xf32, #tpu.memory_space<vmem_shared>> -> memref<128x80xf32, #tpu.memory_space<vmem_shared>>
      tpu.enqueue_dma source(%arg10 : memref<128x80xf32, #tpu.memory_space<vmem>>) target(%dma_start3A_43 : memref<128x80xf32, #tpu.memory_space<vmem_shared>>) target_semaphore(%run_scoped3A : memref<!tpu.dma_semaphore, #tpu.memory_space<semaphore_mem>>)
      %dma_wait3A = arith.constant 0 : i32
      %dma_wait3A_44 = tpu.memref_slice %arg13[%add3A_4, %dma_wait3A] : memref<10112x80xf32, #tpu.memory_space<vmem_shared>> -> memref<128x80xf32, #tpu.memory_space<vmem_shared>>
      %dma_wait3A_45 = arith.constant 0 : i32
      %dma_wait3A_46 = tpu.memref_slice %arg13[%add3A_4, %dma_wait3A_45] : memref<10112x80xf32, #tpu.memory_space<vmem_shared>> -> memref<128x80xf32, #tpu.memory_space<vmem_shared>>
      tpu.wait_dma2 semaphore(%run_scoped3A : memref<!tpu.dma_semaphore, #tpu.memory_space<semaphore_mem>>) src(%arg10 : memref<128x80xf32, #tpu.memory_space<vmem>>) dst(%dma_wait3A_46 : memref<128x80xf32, #tpu.memory_space<vmem_shared>>)
      tpu.yield
    }) : () -> ()
    %add3A_5 = arith.constant 128 : i32
    %add3A_6 = arith.addi %mul3A_2, %add3A_5 : i32
    "tpu.region"() ({
      %run_scoped3A = tpu.sem_alloc : memref<!tpu.dma_semaphore, #tpu.memory_space<semaphore_mem>>
      %dma_start3A = arith.constant 0 : i32
      %dma_start3A_41 = tpu.memref_slice %arg13[%add3A_6, %dma_start3A] : memref<10112x80xf32, #tpu.memory_space<vmem_shared>> -> memref<128x80xf32, #tpu.memory_space<vmem_shared>>
      %dma_start3A_42 = arith.constant 0 : i32
      %dma_start3A_43 = tpu.memref_slice %arg13[%add3A_6, %dma_start3A_42] : memref<10112x80xf32, #tpu.memory_space<vmem_shared>> -> memref<128x80xf32, #tpu.memory_space<vmem_shared>>
      tpu.enqueue_dma source(%arg10 : memref<128x80xf32, #tpu.memory_space<vmem>>) target(%dma_start3A_43 : memref<128x80xf32, #tpu.memory_space<vmem_shared>>) target_semaphore(%run_scoped3A : memref<!tpu.dma_semaphore, #tpu.memory_space<semaphore_mem>>)
      %dma_wait3A = arith.constant 0 : i32
      %dma_wait3A_44 = tpu.memref_slice %arg13[%add3A_6, %dma_wait3A] : memref<10112x80xf32, #tpu.memory_space<vmem_shared>> -> memref<128x80xf32, #tpu.memory_space<vmem_shared>>
      %dma_wait3A_45 = arith.constant 0 : i32
      %dma_wait3A_46 = tpu.memref_slice %arg13[%add3A_6, %dma_wait3A_45] : memref<10112x80xf32, #tpu.memory_space<vmem_shared>> -> memref<128x80xf32, #tpu.memory_space<vmem_shared>>
      tpu.wait_dma2 semaphore(%run_scoped3A : memref<!tpu.dma_semaphore, #tpu.memory_space<semaphore_mem>>) src(%arg10 : memref<128x80xf32, #tpu.memory_space<vmem>>) dst(%dma_wait3A_46 : memref<128x80xf32, #tpu.memory_space<vmem_shared>>)
      tpu.yield
    }) : () -> ()
    %add3A_7 = arith.constant 256 : i32
    %add3A_8 = arith.addi %mul3A_2, %add3A_7 : i32
    "tpu.region"() ({
      %run_scoped3A = tpu.sem_alloc : memref<!tpu.dma_semaphore, #tpu.memory_space<semaphore_mem>>
      %dma_start3A = arith.constant 0 : i32
      %dma_start3A_41 = tpu.memref_slice %arg13[%add3A_8, %dma_start3A] : memref<10112x80xf32, #tpu.memory_space<vmem_shared>> -> memref<128x80xf32, #tpu.memory_space<vmem_shared>>
      %dma_start3A_42 = arith.constant 0 : i32
      %dma_start3A_43 = tpu.memref_slice %arg13[%add3A_8, %dma_start3A_42] : memref<10112x80xf32, #tpu.memory_space<vmem_shared>> -> memref<128x80xf32, #tpu.memory_space<vmem_shared>>
      tpu.enqueue_dma source(%arg10 : memref<128x80xf32, #tpu.memory_space<vmem>>) target(%dma_start3A_43 : memref<128x80xf32, #tpu.memory_space<vmem_shared>>) target_semaphore(%run_scoped3A : memref<!tpu.dma_semaphore, #tpu.memory_space<semaphore_mem>>)
      %dma_wait3A = arith.constant 0 : i32
      %dma_wait3A_44 = tpu.memref_slice %arg13[%add3A_8, %dma_wait3A] : memref<10112x80xf32, #tpu.memory_space<vmem_shared>> -> memref<128x80xf32, #tpu.memory_space<vmem_shared>>
      %dma_wait3A_45 = arith.constant 0 : i32
      %dma_wait3A_46 = tpu.memref_slice %arg13[%add3A_8, %dma_wait3A_45] : memref<10112x80xf32, #tpu.memory_space<vmem_shared>> -> memref<128x80xf32, #tpu.memory_space<vmem_shared>>
      tpu.wait_dma2 semaphore(%run_scoped3A : memref<!tpu.dma_semaphore, #tpu.memory_space<semaphore_mem>>) src(%arg10 : memref<128x80xf32, #tpu.memory_space<vmem>>) dst(%dma_wait3A_46 : memref<128x80xf32, #tpu.memory_space<vmem_shared>>)
      tpu.yield
    }) : () -> ()
    %add3A_9 = arith.constant 384 : i32
    %add3A_10 = arith.addi %mul3A_2, %add3A_9 : i32
    "tpu.region"() ({
      %run_scoped3A = tpu.sem_alloc : memref<!tpu.dma_semaphore, #tpu.memory_space<semaphore_mem>>
      %dma_start3A = arith.constant 0 : i32
      %dma_start3A_41 = tpu.memref_slice %arg13[%add3A_10, %dma_start3A] : memref<10112x80xf32, #tpu.memory_space<vmem_shared>> -> memref<128x80xf32, #tpu.memory_space<vmem_shared>>
      %dma_start3A_42 = arith.constant 0 : i32
      %dma_start3A_43 = tpu.memref_slice %arg13[%add3A_10, %dma_start3A_42] : memref<10112x80xf32, #tpu.memory_space<vmem_shared>> -> memref<128x80xf32, #tpu.memory_space<vmem_shared>>
      tpu.enqueue_dma source(%arg10 : memref<128x80xf32, #tpu.memory_space<vmem>>) target(%dma_start3A_43 : memref<128x80xf32, #tpu.memory_space<vmem_shared>>) target_semaphore(%run_scoped3A : memref<!tpu.dma_semaphore, #tpu.memory_space<semaphore_mem>>)
      %dma_wait3A = arith.constant 0 : i32
      %dma_wait3A_44 = tpu.memref_slice %arg13[%add3A_10, %dma_wait3A] : memref<10112x80xf32, #tpu.memory_space<vmem_shared>> -> memref<128x80xf32, #tpu.memory_space<vmem_shared>>
      %dma_wait3A_45 = arith.constant 0 : i32
      %dma_wait3A_46 = tpu.memref_slice %arg13[%add3A_10, %dma_wait3A_45] : memref<10112x80xf32, #tpu.memory_space<vmem_shared>> -> memref<128x80xf32, #tpu.memory_space<vmem_shared>>
      tpu.wait_dma2 semaphore(%run_scoped3A : memref<!tpu.dma_semaphore, #tpu.memory_space<semaphore_mem>>) src(%arg10 : memref<128x80xf32, #tpu.memory_space<vmem>>) dst(%dma_wait3A_46 : memref<128x80xf32, #tpu.memory_space<vmem_shared>>)
      tpu.yield
    }) : () -> ()
    %add3A_11 = arith.constant 512 : i32
    %add3A_12 = arith.addi %mul3A_2, %add3A_11 : i32
    "tpu.region"() ({
      %run_scoped3A = tpu.sem_alloc : memref<!tpu.dma_semaphore, #tpu.memory_space<semaphore_mem>>
      %dma_start3A = arith.constant 0 : i32
      %dma_start3A_41 = arith.constant 0 : i32
      %dma_start3A_42 = tpu.memref_slice %arg10[%dma_start3A, %dma_start3A_41] : memref<128x80xf32, #tpu.memory_space<vmem>> -> memref<120x80xf32, #tpu.memory_space<vmem>>
      %dma_start3A_43 = arith.constant 0 : i32
      %dma_start3A_44 = tpu.memref_slice %arg13[%add3A_12, %dma_start3A_43] : memref<10112x80xf32, #tpu.memory_space<vmem_shared>> -> memref<120x80xf32, #tpu.memory_space<vmem_shared>>
      %dma_start3A_45 = arith.constant 0 : i32
      %dma_start3A_46 = tpu.memref_slice %arg13[%add3A_12, %dma_start3A_45] : memref<10112x80xf32, #tpu.memory_space<vmem_shared>> -> memref<120x80xf32, #tpu.memory_space<vmem_shared>>
      %dma_start3A_47 = arith.constant 0 : i32
      %dma_start3A_48 = arith.constant 0 : i32
      %dma_start3A_49 = tpu.memref_slice %arg10[%dma_start3A_47, %dma_start3A_48] : memref<128x80xf32, #tpu.memory_space<vmem>> -> memref<120x80xf32, #tpu.memory_space<vmem>>
      tpu.enqueue_dma source(%dma_start3A_49 : memref<120x80xf32, #tpu.memory_space<vmem>>) target(%dma_start3A_46 : memref<120x80xf32, #tpu.memory_space<vmem_shared>>) target_semaphore(%run_scoped3A : memref<!tpu.dma_semaphore, #tpu.memory_space<semaphore_mem>>)
      %dma_wait3A = arith.constant 0 : i32
      %dma_wait3A_50 = arith.constant 0 : i32
      %dma_wait3A_51 = tpu.memref_slice %arg10[%dma_wait3A, %dma_wait3A_50] : memref<128x80xf32, #tpu.memory_space<vmem>> -> memref<120x80xf32, #tpu.memory_space<vmem>>
      %dma_wait3A_52 = arith.constant 0 : i32
      %dma_wait3A_53 = tpu.memref_slice %arg13[%add3A_12, %dma_wait3A_52] : memref<10112x80xf32, #tpu.memory_space<vmem_shared>> -> memref<120x80xf32, #tpu.memory_space<vmem_shared>>
      %dma_wait3A_54 = arith.constant 0 : i32
      %dma_wait3A_55 = tpu.memref_slice %arg13[%add3A_12, %dma_wait3A_54] : memref<10112x80xf32, #tpu.memory_space<vmem_shared>> -> memref<120x80xf32, #tpu.memory_space<vmem_shared>>
      %dma_wait3A_56 = arith.constant 0 : i32
      %dma_wait3A_57 = arith.constant 0 : i32
      %dma_wait3A_58 = tpu.memref_slice %arg10[%dma_wait3A_56, %dma_wait3A_57] : memref<128x80xf32, #tpu.memory_space<vmem>> -> memref<120x80xf32, #tpu.memory_space<vmem>>
      tpu.wait_dma2 semaphore(%run_scoped3A : memref<!tpu.dma_semaphore, #tpu.memory_space<semaphore_mem>>) src(%dma_wait3A_58 : memref<120x80xf32, #tpu.memory_space<vmem>>) dst(%dma_wait3A_55 : memref<120x80xf32, #tpu.memory_space<vmem_shared>>)
      tpu.yield
    }) : () -> ()
    %barrier3A = arith.constant 0 : index
    tpu.barrier barrier_id(%barrier3A)
    %mul3A_13 = arith.constant 10368 : i32
    %mul3A_14 = arith.muli %add3A, %mul3A_13 : i32
    %scan3A = arith.constant 0 : i32
    %scan3A_15 = arith.constant 0 : i32
    %scan3A_16 = arith.constant 81 : i32
    %scan3A_17 = arith.addi %scan3A_15, %scan3A_16 : i32
    %scan3A_18 = arith.constant 1 : i32
    scf.for %scan3A_41 = %scan3A_15 to %scan3A_17 step %scan3A_18  : i32 {
      %mul3A_42 = arith.constant 128 : i32
      %mul3A_43 = arith.muli %scan3A_41, %mul3A_42 : i32
      %add3A_44 = arith.addi %mul3A_14, %mul3A_43 : i32
      "tpu.region"() ({
        %run_scoped3A = tpu.sem_alloc : memref<!tpu.dma_semaphore, #tpu.memory_space<semaphore_mem>>
        %dma_start3A_67 = tpu.memref_slice %arg4[%add3A_44] : memref<331776xi32, #tpu.memory_space<hbm>> -> memref<128xi32, #tpu.memory_space<hbm>>
        %dma_start3A_68 = tpu.memref_slice %arg4[%add3A_44] : memref<331776xi32, #tpu.memory_space<hbm>> -> memref<128xi32, #tpu.memory_space<hbm>>
        tpu.enqueue_dma source(%dma_start3A_68 : memref<128xi32, #tpu.memory_space<hbm>>) target(%arg8 : memref<128xi32, #tpu.memory_space<vmem>>) target_semaphore(%run_scoped3A : memref<!tpu.dma_semaphore, #tpu.memory_space<semaphore_mem>>)
        %dma_wait3A_69 = tpu.memref_slice %arg4[%add3A_44] : memref<331776xi32, #tpu.memory_space<hbm>> -> memref<128xi32, #tpu.memory_space<hbm>>
        %dma_wait3A_70 = tpu.memref_slice %arg4[%add3A_44] : memref<331776xi32, #tpu.memory_space<hbm>> -> memref<128xi32, #tpu.memory_space<hbm>>
        tpu.wait_dma2 semaphore(%run_scoped3A : memref<!tpu.dma_semaphore, #tpu.memory_space<semaphore_mem>>) src(%dma_wait3A_70 : memref<128xi32, #tpu.memory_space<hbm>>) dst(%arg8 : memref<128xi32, #tpu.memory_space<vmem>>)
        tpu.yield
      }) : () -> ()
      "tpu.region"() ({
        %run_scoped3A = tpu.sem_alloc : memref<!tpu.dma_semaphore, #tpu.memory_space<semaphore_mem>>
        %dma_start3A_67 = tpu.memref_slice %arg5[%add3A_44] : memref<331776xi32, #tpu.memory_space<hbm>> -> memref<128xi32, #tpu.memory_space<hbm>>
        %dma_start3A_68 = tpu.memref_slice %arg5[%add3A_44] : memref<331776xi32, #tpu.memory_space<hbm>> -> memref<128xi32, #tpu.memory_space<hbm>>
        tpu.enqueue_dma source(%dma_start3A_68 : memref<128xi32, #tpu.memory_space<hbm>>) target(%arg9 : memref<128xi32, #tpu.memory_space<vmem>>) target_semaphore(%run_scoped3A : memref<!tpu.dma_semaphore, #tpu.memory_space<semaphore_mem>>)
        %dma_wait3A_69 = tpu.memref_slice %arg5[%add3A_44] : memref<331776xi32, #tpu.memory_space<hbm>> -> memref<128xi32, #tpu.memory_space<hbm>>
        %dma_wait3A_70 = tpu.memref_slice %arg5[%add3A_44] : memref<331776xi32, #tpu.memory_space<hbm>> -> memref<128xi32, #tpu.memory_space<hbm>>
        tpu.wait_dma2 semaphore(%run_scoped3A : memref<!tpu.dma_semaphore, #tpu.memory_space<semaphore_mem>>) src(%dma_wait3A_70 : memref<128xi32, #tpu.memory_space<hbm>>) dst(%arg9 : memref<128xi32, #tpu.memory_space<vmem>>)
        tpu.yield
      }) : () -> ()
      %dma_start3A = arith.constant 0 : i32
      %dma_start3A_45 = arith.constant 0 : i32
      %dma_start3A_46 = tpu.memref_slice %arg2[%dma_start3A, %dma_start3A_45] : memref<10000x80xf32, #tpu.memory_space<hbm>> -> memref<10000x80xf32, #tpu.memory_space<hbm>>
      tpu.enqueue_indirect_dma source(%dma_start3A_46 : memref<10000x80xf32, #tpu.memory_space<hbm>>) target(%arg10 : memref<128x80xf32, #tpu.memory_space<vmem>>) offsets(%arg8 : memref<128xi32, #tpu.memory_space<vmem>>) semaphore(%arg14 : memref<!tpu.dma_semaphore, #tpu.memory_space<semaphore_mem>>)
      %dma_wait3A = arith.constant 0 : i32
      %dma_wait3A_47 = arith.constant 0 : i32
      %dma_wait3A_48 = tpu.memref_slice %arg2[%dma_wait3A, %dma_wait3A_47] : memref<10000x80xf32, #tpu.memory_space<hbm>> -> memref<10000x80xf32, #tpu.memory_space<hbm>>
      tpu.wait_indirect_dma semaphore(%arg14 : memref<!tpu.dma_semaphore, #tpu.memory_space<semaphore_mem>>) src(%dma_wait3A_48 : memref<10000x80xf32, #tpu.memory_space<hbm>>) dst(%arg10 : memref<128x80xf32, #tpu.memory_space<vmem>>)
      %dma_start3A_49 = arith.constant 0 : i32
      %dma_start3A_50 = arith.constant 0 : i32
      %dma_start3A_51 = tpu.memref_slice %arg3[%dma_start3A_49, %dma_start3A_50] : memref<10016x8xf32, #tpu.memory_space<hbm>> -> memref<10016x8xf32, #tpu.memory_space<hbm>>
      tpu.enqueue_indirect_dma source(%dma_start3A_51 : memref<10016x8xf32, #tpu.memory_space<hbm>>) target(%arg11 : memref<128x8xf32, #tpu.memory_space<vmem>>) offsets(%arg9 : memref<128xi32, #tpu.memory_space<vmem>>) semaphore(%arg14 : memref<!tpu.dma_semaphore, #tpu.memory_space<semaphore_mem>>)
      %dma_wait3A_52 = arith.constant 0 : i32
      %dma_wait3A_53 = arith.constant 0 : i32
      %dma_wait3A_54 = tpu.memref_slice %arg3[%dma_wait3A_52, %dma_wait3A_53] : memref<10016x8xf32, #tpu.memory_space<hbm>> -> memref<10016x8xf32, #tpu.memory_space<hbm>>
      tpu.wait_indirect_dma semaphore(%arg14 : memref<!tpu.dma_semaphore, #tpu.memory_space<semaphore_mem>>) src(%dma_wait3A_54 : memref<10016x8xf32, #tpu.memory_space<hbm>>) dst(%arg11 : memref<128x8xf32, #tpu.memory_space<vmem>>)
      %scan3A_55 = arith.constant 0 : i32
      %scan3A_56 = arith.constant 0 : i32
      %scan3A_57 = arith.constant 64 : i32
      %scan3A_58 = arith.addi %scan3A_56, %scan3A_57 : i32
      %scan3A_59 = arith.constant 1 : i32
      scf.for %scan3A_67 = %scan3A_56 to %scan3A_58 step %scan3A_59  : i32 {
        %mul3A_68 = arith.constant 2 : i32
        %mul3A_69 = arith.muli %mul3A_68, %scan3A_67 : i32
        %shift_right_arithmetic3A = arith.constant 3 : i32
        %shift_right_arithmetic3A_70 = vector.broadcast %shift_right_arithmetic3A : i32 to vector<16xi32>
        %shift_right_arithmetic3A_71 = arith.shrsi %iota3A, %shift_right_arithmetic3A_70 : vector<16xi32>
        %add3A_72 = vector.broadcast %mul3A_69 : i32 to vector<16xi32>
        %add3A_73 = arith.addi %add3A_72, %shift_right_arithmetic3A_71 : vector<16xi32>
        %and3A = arith.constant 7 : i32
        %and3A_74 = vector.broadcast %and3A : i32 to vector<16xi32>
        %and3A_75 = arith.andi %iota3A, %and3A_74 : vector<16xi32>
        %add3A_76 = arith.constant 64 : i32
        %add3A_77 = vector.broadcast %add3A_76 : i32 to vector<16xi32>
        %add3A_78 = arith.addi %add3A_77, %and3A_75 : vector<16xi32>
        %gather3A = tpu.vector_load_idx %arg10[%add3A_73, %add3A_78] : memref<128x80xf32, #tpu.memory_space<vmem>>[vector<16xi32>, vector<16xi32>], vector<16xf32>,
        %and3A_79 = arith.constant 7 : i32
        %and3A_80 = vector.broadcast %and3A_79 : i32 to vector<16xi32>
        %and3A_81 = arith.andi %iota3A, %and3A_80 : vector<16xi32>
        %gather3A_82 = tpu.vector_load_idx %arg11[%add3A_73, %and3A_81] : memref<128x8xf32, #tpu.memory_space<vmem>>[vector<16xi32>, vector<16xi32>], vector<16xf32>,
        %add3A_83 = arith.addf %gather3A, %gather3A_82 : vector<16xf32>
        %mul3A_84 = arith.constant 2.000000e-01 : f32
        %mul3A_85 = vector.broadcast %mul3A_84 : f32 to vector<16xf32>
        %mul3A_86 = arith.mulf %mul3A_85, %add3A_83 : vector<16xf32>
        %max3A = arith.maximumf %add3A_83, %mul3A_86 : vector<16xf32>
        %exp3A = math.exp %max3A : vector<16xf32>
        %mul3A_87 = arith.constant 16 : i32
        %mul3A_88 = arith.muli %mul3A_87, %scan3A_67 : i32
        %swap3A = arith.index_cast %mul3A_88 : i32 to index
        %swap3A_89 = tpu.vector_load %arg12[%swap3A] {strides = array<i32>} : memref<1040xf32, #tpu.memory_space<vmem>>, vector<16xf32>,
        tpu.vector_store %arg12[%swap3A], %exp3A {strides = array<i32>} : memref<1040xf32, #tpu.memory_space<vmem>>, vector<16xf32>,
      }
      %scan3A_60 = arith.constant 64 : i32
      %scan3A_61 = arith.constant 0 : i32
      %scan3A_62 = arith.constant 0 : i32
      %scan3A_63 = arith.constant 128 : i32
      %scan3A_64 = arith.addi %scan3A_62, %scan3A_63 : i32
      %scan3A_65 = arith.constant 1 : i32
      scf.for %scan3A_67 = %scan3A_62 to %scan3A_64 step %scan3A_65  : i32 {
        %broadcast_in_dim3A = vector.broadcast %scan3A_67 : i32 to vector<16xi32>
        %mul3A_68 = arith.constant 8 : i32
        %mul3A_69 = arith.muli %scan3A_67, %mul3A_68 : i32
        %add3A_70 = arith.constant 0 : i32
        %add3A_71 = vector.broadcast %add3A_70 : i32 to vector<16xi32>
        %add3A_72 = arith.addi %add3A_71, %iota3A : vector<16xi32>
        %shift_right_arithmetic3A = arith.constant 3 : i32
        %shift_right_arithmetic3A_73 = vector.broadcast %shift_right_arithmetic3A : i32 to vector<16xi32>
        %shift_right_arithmetic3A_74 = arith.shrsi %add3A_72, %shift_right_arithmetic3A_73 : vector<16xi32>
        %add3A_75 = vector.broadcast %mul3A_69 : i32 to vector<16xi32>
        %add3A_76 = arith.addi %add3A_75, %shift_right_arithmetic3A_74 : vector<16xi32>
        %gather3A = tpu.vector_load_idx %arg12[%add3A_76] : memref<1040xf32, #tpu.memory_space<vmem>>[vector<16xi32>], vector<16xf32>,
        %get3A = arith.index_cast %scan3A_67 : i32 to index
        %get3A_77 = arith.constant 0 : index
        %get3A_78 = tpu.vector_load %arg10[%get3A, %get3A_77] {strides = array<i32>} : memref<128x80xf32, #tpu.memory_space<vmem>>, vector<16xf32>,
        %mul3A_79 = arith.mulf %get3A_78, %gather3A : vector<16xf32>
        %swap3A = arith.index_cast %scan3A_67 : i32 to index
        %swap3A_80 = arith.constant 0 : index
        %swap3A_81 = tpu.vector_load %arg10[%swap3A, %swap3A_80] {strides = array<i32>} : memref<128x80xf32, #tpu.memory_space<vmem>>, vector<16xf32>,
        tpu.vector_store %arg10[%swap3A, %swap3A_80], %mul3A_79 {strides = array<i32>} : memref<128x80xf32, #tpu.memory_space<vmem>>, vector<16xf32>,
        %mul3A_82 = arith.constant 8 : i32
        %mul3A_83 = arith.muli %scan3A_67, %mul3A_82 : i32
        %add3A_84 = arith.constant 16 : i32
        %add3A_85 = vector.broadcast %add3A_84 : i32 to vector<16xi32>
        %add3A_86 = arith.addi %add3A_85, %iota3A : vector<16xi32>
        %shift_right_arithmetic3A_87 = arith.constant 3 : i32
        %shift_right_arithmetic3A_88 = vector.broadcast %shift_right_arithmetic3A_87 : i32 to vector<16xi32>
        %shift_right_arithmetic3A_89 = arith.shrsi %add3A_86, %shift_right_arithmetic3A_88 : vector<16xi32>
        %add3A_90 = vector.broadcast %mul3A_83 : i32 to vector<16xi32>
        %add3A_91 = arith.addi %add3A_90, %shift_right_arithmetic3A_89 : vector<16xi32>
        %gather3A_92 = tpu.vector_load_idx %arg12[%add3A_91] : memref<1040xf32, #tpu.memory_space<vmem>>[vector<16xi32>], vector<16xf32>,
        %get3A_93 = arith.index_cast %scan3A_67 : i32 to index
        %get3A_94 = arith.constant 16 : index
        %get3A_95 = tpu.vector_load %arg10[%get3A_93, %get3A_94] {strides = array<i32>} : memref<128x80xf32, #tpu.memory_space<vmem>>, vector<16xf32>,
        %mul3A_96 = arith.mulf %get3A_95, %gather3A_92 : vector<16xf32>
        %swap3A_97 = arith.index_cast %scan3A_67 : i32 to index
        %swap3A_98 = arith.constant 16 : index
        %swap3A_99 = tpu.vector_load %arg10[%swap3A_97, %swap3A_98] {strides = array<i32>} : memref<128x80xf32, #tpu.memory_space<vmem>>, vector<16xf32>,
        tpu.vector_store %arg10[%swap3A_97, %swap3A_98], %mul3A_96 {strides = array<i32>} : memref<128x80xf32, #tpu.memory_space<vmem>>, vector<16xf32>,
        %mul3A_100 = arith.constant 8 : i32
        %mul3A_101 = arith.muli %scan3A_67, %mul3A_100 : i32
        %add3A_102 = arith.constant 32 : i32
        %add3A_103 = vector.broadcast %add3A_102 : i32 to vector<16xi32>
        %add3A_104 = arith.addi %add3A_103, %iota3A : vector<16xi32>
        %shift_right_arithmetic3A_105 = arith.constant 3 : i32
        %shift_right_arithmetic3A_106 = vector.broadcast %shift_right_arithmetic3A_105 : i32 to vector<16xi32>
        %shift_right_arithmetic3A_107 = arith.shrsi %add3A_104, %shift_right_arithmetic3A_106 : vector<16xi32>
        %add3A_108 = vector.broadcast %mul3A_101 : i32 to vector<16xi32>
        %add3A_109 = arith.addi %add3A_108, %shift_right_arithmetic3A_107 : vector<16xi32>
        %gather3A_110 = tpu.vector_load_idx %arg12[%add3A_109] : memref<1040xf32, #tpu.memory_space<vmem>>[vector<16xi32>], vector<16xf32>,
        %get3A_111 = arith.index_cast %scan3A_67 : i32 to index
        %get3A_112 = arith.constant 32 : index
        %get3A_113 = tpu.vector_load %arg10[%get3A_111, %get3A_112] {strides = array<i32>} : memref<128x80xf32, #tpu.memory_space<vmem>>, vector<16xf32>,
        %mul3A_114 = arith.mulf %get3A_113, %gather3A_110 : vector<16xf32>
        %swap3A_115 = arith.index_cast %scan3A_67 : i32 to index
        %swap3A_116 = arith.constant 32 : index
        %swap3A_117 = tpu.vector_load %arg10[%swap3A_115, %swap3A_116] {strides = array<i32>} : memref<128x80xf32, #tpu.memory_space<vmem>>, vector<16xf32>,
        tpu.vector_store %arg10[%swap3A_115, %swap3A_116], %mul3A_114 {strides = array<i32>} : memref<128x80xf32, #tpu.memory_space<vmem>>, vector<16xf32>,
        %mul3A_118 = arith.constant 8 : i32
        %mul3A_119 = arith.muli %scan3A_67, %mul3A_118 : i32
        %add3A_120 = arith.constant 48 : i32
        %add3A_121 = vector.broadcast %add3A_120 : i32 to vector<16xi32>
        %add3A_122 = arith.addi %add3A_121, %iota3A : vector<16xi32>
        %shift_right_arithmetic3A_123 = arith.constant 3 : i32
        %shift_right_arithmetic3A_124 = vector.broadcast %shift_right_arithmetic3A_123 : i32 to vector<16xi32>
        %shift_right_arithmetic3A_125 = arith.shrsi %add3A_122, %shift_right_arithmetic3A_124 : vector<16xi32>
        %add3A_126 = vector.broadcast %mul3A_119 : i32 to vector<16xi32>
        %add3A_127 = arith.addi %add3A_126, %shift_right_arithmetic3A_125 : vector<16xi32>
        %gather3A_128 = tpu.vector_load_idx %arg12[%add3A_127] : memref<1040xf32, #tpu.memory_space<vmem>>[vector<16xi32>], vector<16xf32>,
        %get3A_129 = arith.index_cast %scan3A_67 : i32 to index
        %get3A_130 = arith.constant 48 : index
        %get3A_131 = tpu.vector_load %arg10[%get3A_129, %get3A_130] {strides = array<i32>} : memref<128x80xf32, #tpu.memory_space<vmem>>, vector<16xf32>,
        %mul3A_132 = arith.mulf %get3A_131, %gather3A_128 : vector<16xf32>
        %swap3A_133 = arith.index_cast %scan3A_67 : i32 to index
        %swap3A_134 = arith.constant 48 : index
        %swap3A_135 = tpu.vector_load %arg10[%swap3A_133, %swap3A_134] {strides = array<i32>} : memref<128x80xf32, #tpu.memory_space<vmem>>, vector<16xf32>,
        tpu.vector_store %arg10[%swap3A_133, %swap3A_134], %mul3A_132 {strides = array<i32>} : memref<128x80xf32, #tpu.memory_space<vmem>>, vector<16xf32>,
        %mul3A_136 = arith.constant 8 : i32
        %mul3A_137 = arith.muli %scan3A_67, %mul3A_136 : i32
        %get3A_138 = arith.index_cast %mul3A_137 : i32 to index
        %get3A_139 = tpu.vector_load %arg12[%get3A_138] {strides = array<i32>} : memref<1040xf32, #tpu.memory_space<vmem>>, vector<16xf32>,
        %add3A_140 = arith.constant 64 : i32
        %add3A_141 = vector.broadcast %add3A_140 : i32 to vector<16xi32>
        %add3A_142 = arith.addi %add3A_141, %iota3A : vector<16xi32>
        %lt3A = arith.constant 8 : i32
        %lt3A_143 = vector.broadcast %lt3A : i32 to vector<16xi32>
        %lt3A_144 = arith.cmpi slt, %iota3A, %lt3A_143 : vector<16xi32>
        tpu.vector_store_idx %arg10[%broadcast_in_dim3A, %add3A_142], %get3A_139 masked %lt3A_144 : memref<128x80xf32, #tpu.memory_space<vmem>>[vector<16xi32>, vector<16xi32>], vector<16xf32>, vector<16xi1>
      }
      %scan3A_66 = arith.constant 128 : i32
      "tpu.region"() ({
        %run_scoped3A = tpu.sem_alloc : memref<!tpu.dma_semaphore, #tpu.memory_space<semaphore_mem>>
        %dma_start3A_67 = arith.constant 0 : i32
        %dma_start3A_68 = arith.constant 0 : i32
        %dma_start3A_69 = tpu.memref_slice %arg13[%dma_start3A_67, %dma_start3A_68] : memref<10112x80xf32, #tpu.memory_space<vmem_shared>> -> memref<10112x80xf32, #tpu.memory_space<vmem_shared>>
        tpu.enqueue_indirect_dma source(%arg10 : memref<128x80xf32, #tpu.memory_space<vmem>>) target(%dma_start3A_69 : memref<10112x80xf32, #tpu.memory_space<vmem_shared>>) offsets(%arg9 : memref<128xi32, #tpu.memory_space<vmem>>) semaphore(%run_scoped3A : memref<!tpu.dma_semaphore, #tpu.memory_space<semaphore_mem>>) {add = true}
        %dma_wait3A_70 = arith.constant 0 : i32
        %dma_wait3A_71 = arith.constant 0 : i32
        %dma_wait3A_72 = tpu.memref_slice %arg13[%dma_wait3A_70, %dma_wait3A_71] : memref<10112x80xf32, #tpu.memory_space<vmem_shared>> -> memref<10112x80xf32, #tpu.memory_space<vmem_shared>>
        tpu.wait_indirect_dma semaphore(%run_scoped3A : memref<!tpu.dma_semaphore, #tpu.memory_space<semaphore_mem>>) src(%arg10 : memref<128x80xf32, #tpu.memory_space<vmem>>) dst(%dma_wait3A_72 : memref<10112x80xf32, #tpu.memory_space<vmem_shared>>)
        tpu.yield
      }) : () -> ()
    }
    %scan3A_19 = arith.constant 81 : i32
    %barrier3A_20 = arith.constant 0 : index
    tpu.barrier barrier_id(%barrier3A_20)
    %add3A_21 = arith.constant 0 : i32
    %add3A_22 = arith.addi %mul3A_2, %add3A_21 : i32
    "tpu.region"() ({
      %run_scoped3A = tpu.sem_alloc : memref<!tpu.dma_semaphore, #tpu.memory_space<semaphore_mem>>
      %dma_start3A = arith.constant 0 : i32
      %dma_start3A_41 = tpu.memref_slice %arg13[%add3A_22, %dma_start3A] : memref<10112x80xf32, #tpu.memory_space<vmem_shared>> -> memref<128x80xf32, #tpu.memory_space<vmem_shared>>
      %dma_start3A_42 = arith.constant 0 : i32
      %dma_start3A_43 = tpu.memref_slice %arg13[%add3A_22, %dma_start3A_42] : memref<10112x80xf32, #tpu.memory_space<vmem_shared>> -> memref<128x80xf32, #tpu.memory_space<vmem_shared>>
      tpu.enqueue_dma source(%dma_start3A_43 : memref<128x80xf32, #tpu.memory_space<vmem_shared>>) target(%arg10 : memref<128x80xf32, #tpu.memory_space<vmem>>) target_semaphore(%run_scoped3A : memref<!tpu.dma_semaphore, #tpu.memory_space<semaphore_mem>>)
      %dma_wait3A = arith.constant 0 : i32
      %dma_wait3A_44 = tpu.memref_slice %arg13[%add3A_22, %dma_wait3A] : memref<10112x80xf32, #tpu.memory_space<vmem_shared>> -> memref<128x80xf32, #tpu.memory_space<vmem_shared>>
      %dma_wait3A_45 = arith.constant 0 : i32
      %dma_wait3A_46 = tpu.memref_slice %arg13[%add3A_22, %dma_wait3A_45] : memref<10112x80xf32, #tpu.memory_space<vmem_shared>> -> memref<128x80xf32, #tpu.memory_space<vmem_shared>>
      tpu.wait_dma2 semaphore(%run_scoped3A : memref<!tpu.dma_semaphore, #tpu.memory_space<semaphore_mem>>) src(%dma_wait3A_46 : memref<128x80xf32, #tpu.memory_space<vmem_shared>>) dst(%arg10 : memref<128x80xf32, #tpu.memory_space<vmem>>)
      tpu.yield
    }) : () -> ()
    %add3A_23 = arith.constant 0 : i32
    %add3A_24 = arith.addi %mul3A_2, %add3A_23 : i32
    "tpu.region"() ({
      %run_scoped3A = tpu.sem_alloc : memref<!tpu.dma_semaphore, #tpu.memory_space<semaphore_mem>>
      %dma_start3A = arith.constant 0 : i32
      %dma_start3A_41 = tpu.memref_slice %arg7[%arg0, %add3A_24, %dma_start3A] : memref<2x10112x80xf32, #tpu.memory_space<hbm>> -> memref<1x128x80xf32, #tpu.memory_space<hbm>>
      %dma_start3A_42 = tpu.memref_squeeze %dma_start3A_41 : memref<1x128x80xf32, #tpu.memory_space<hbm>> -> memref<128x80xf32, #tpu.memory_space<hbm>>
      %dma_start3A_43 = arith.constant 0 : i32
      %dma_start3A_44 = tpu.memref_slice %arg7[%arg0, %add3A_24, %dma_start3A_43] : memref<2x10112x80xf32, #tpu.memory_space<hbm>> -> memref<1x128x80xf32, #tpu.memory_space<hbm>>
      %dma_start3A_45 = tpu.memref_squeeze %dma_start3A_44 : memref<1x128x80xf32, #tpu.memory_space<hbm>> -> memref<128x80xf32, #tpu.memory_space<hbm>>
      tpu.enqueue_dma source(%arg10 : memref<128x80xf32, #tpu.memory_space<vmem>>) target(%dma_start3A_45 : memref<128x80xf32, #tpu.memory_space<hbm>>) target_semaphore(%run_scoped3A : memref<!tpu.dma_semaphore, #tpu.memory_space<semaphore_mem>>)
      %dma_wait3A = arith.constant 0 : i32
      %dma_wait3A_46 = tpu.memref_slice %arg7[%arg0, %add3A_24, %dma_wait3A] : memref<2x10112x80xf32, #tpu.memory_space<hbm>> -> memref<1x128x80xf32, #tpu.memory_space<hbm>>
      %dma_wait3A_47 = tpu.memref_squeeze %dma_wait3A_46 : memref<1x128x80xf32, #tpu.memory_space<hbm>> -> memref<128x80xf32, #tpu.memory_space<hbm>>
      %dma_wait3A_48 = arith.constant 0 : i32
      %dma_wait3A_49 = tpu.memref_slice %arg7[%arg0, %add3A_24, %dma_wait3A_48] : memref<2x10112x80xf32, #tpu.memory_space<hbm>> -> memref<1x128x80xf32, #tpu.memory_space<hbm>>
      %dma_wait3A_50 = tpu.memref_squeeze %dma_wait3A_49 : memref<1x128x80xf32, #tpu.memory_space<hbm>> -> memref<128x80xf32, #tpu.memory_space<hbm>>
      tpu.wait_dma2 semaphore(%run_scoped3A : memref<!tpu.dma_semaphore, #tpu.memory_space<semaphore_mem>>) src(%arg10 : memref<128x80xf32, #tpu.memory_space<vmem>>) dst(%dma_wait3A_50 : memref<128x80xf32, #tpu.memory_space<hbm>>)
      tpu.yield
    }) : () -> ()
    %add3A_25 = arith.constant 128 : i32
    %add3A_26 = arith.addi %mul3A_2, %add3A_25 : i32
    "tpu.region"() ({
      %run_scoped3A = tpu.sem_alloc : memref<!tpu.dma_semaphore, #tpu.memory_space<semaphore_mem>>
      %dma_start3A = arith.constant 0 : i32
      %dma_start3A_41 = tpu.memref_slice %arg13[%add3A_26, %dma_start3A] : memref<10112x80xf32, #tpu.memory_space<vmem_shared>> -> memref<128x80xf32, #tpu.memory_space<vmem_shared>>
      %dma_start3A_42 = arith.constant 0 : i32
      %dma_start3A_43 = tpu.memref_slice %arg13[%add3A_26, %dma_start3A_42] : memref<10112x80xf32, #tpu.memory_space<vmem_shared>> -> memref<128x80xf32, #tpu.memory_space<vmem_shared>>
      tpu.enqueue_dma source(%dma_start3A_43 : memref<128x80xf32, #tpu.memory_space<vmem_shared>>) target(%arg10 : memref<128x80xf32, #tpu.memory_space<vmem>>) target_semaphore(%run_scoped3A : memref<!tpu.dma_semaphore, #tpu.memory_space<semaphore_mem>>)
      %dma_wait3A = arith.constant 0 : i32
      %dma_wait3A_44 = tpu.memref_slice %arg13[%add3A_26, %dma_wait3A] : memref<10112x80xf32, #tpu.memory_space<vmem_shared>> -> memref<128x80xf32, #tpu.memory_space<vmem_shared>>
      %dma_wait3A_45 = arith.constant 0 : i32
      %dma_wait3A_46 = tpu.memref_slice %arg13[%add3A_26, %dma_wait3A_45] : memref<10112x80xf32, #tpu.memory_space<vmem_shared>> -> memref<128x80xf32, #tpu.memory_space<vmem_shared>>
      tpu.wait_dma2 semaphore(%run_scoped3A : memref<!tpu.dma_semaphore, #tpu.memory_space<semaphore_mem>>) src(%dma_wait3A_46 : memref<128x80xf32, #tpu.memory_space<vmem_shared>>) dst(%arg10 : memref<128x80xf32, #tpu.memory_space<vmem>>)
      tpu.yield
    }) : () -> ()
    %add3A_27 = arith.constant 128 : i32
    %add3A_28 = arith.addi %mul3A_2, %add3A_27 : i32
    "tpu.region"() ({
      %run_scoped3A = tpu.sem_alloc : memref<!tpu.dma_semaphore, #tpu.memory_space<semaphore_mem>>
      %dma_start3A = arith.constant 0 : i32
      %dma_start3A_41 = tpu.memref_slice %arg7[%arg0, %add3A_28, %dma_start3A] : memref<2x10112x80xf32, #tpu.memory_space<hbm>> -> memref<1x128x80xf32, #tpu.memory_space<hbm>>
      %dma_start3A_42 = tpu.memref_squeeze %dma_start3A_41 : memref<1x128x80xf32, #tpu.memory_space<hbm>> -> memref<128x80xf32, #tpu.memory_space<hbm>>
      %dma_start3A_43 = arith.constant 0 : i32
      %dma_start3A_44 = tpu.memref_slice %arg7[%arg0, %add3A_28, %dma_start3A_43] : memref<2x10112x80xf32, #tpu.memory_space<hbm>> -> memref<1x128x80xf32, #tpu.memory_space<hbm>>
      %dma_start3A_45 = tpu.memref_squeeze %dma_start3A_44 : memref<1x128x80xf32, #tpu.memory_space<hbm>> -> memref<128x80xf32, #tpu.memory_space<hbm>>
      tpu.enqueue_dma source(%arg10 : memref<128x80xf32, #tpu.memory_space<vmem>>) target(%dma_start3A_45 : memref<128x80xf32, #tpu.memory_space<hbm>>) target_semaphore(%run_scoped3A : memref<!tpu.dma_semaphore, #tpu.memory_space<semaphore_mem>>)
      %dma_wait3A = arith.constant 0 : i32
      %dma_wait3A_46 = tpu.memref_slice %arg7[%arg0, %add3A_28, %dma_wait3A] : memref<2x10112x80xf32, #tpu.memory_space<hbm>> -> memref<1x128x80xf32, #tpu.memory_space<hbm>>
      %dma_wait3A_47 = tpu.memref_squeeze %dma_wait3A_46 : memref<1x128x80xf32, #tpu.memory_space<hbm>> -> memref<128x80xf32, #tpu.memory_space<hbm>>
      %dma_wait3A_48 = arith.constant 0 : i32
      %dma_wait3A_49 = tpu.memref_slice %arg7[%arg0, %add3A_28, %dma_wait3A_48] : memref<2x10112x80xf32, #tpu.memory_space<hbm>> -> memref<1x128x80xf32, #tpu.memory_space<hbm>>
      %dma_wait3A_50 = tpu.memref_squeeze %dma_wait3A_49 : memref<1x128x80xf32, #tpu.memory_space<hbm>> -> memref<128x80xf32, #tpu.memory_space<hbm>>
      tpu.wait_dma2 semaphore(%run_scoped3A : memref<!tpu.dma_semaphore, #tpu.memory_space<semaphore_mem>>) src(%arg10 : memref<128x80xf32, #tpu.memory_space<vmem>>) dst(%dma_wait3A_50 : memref<128x80xf32, #tpu.memory_space<hbm>>)
      tpu.yield
    }) : () -> ()
    %add3A_29 = arith.constant 256 : i32
    %add3A_30 = arith.addi %mul3A_2, %add3A_29 : i32
    "tpu.region"() ({
      %run_scoped3A = tpu.sem_alloc : memref<!tpu.dma_semaphore, #tpu.memory_space<semaphore_mem>>
      %dma_start3A = arith.constant 0 : i32
      %dma_start3A_41 = tpu.memref_slice %arg13[%add3A_30, %dma_start3A] : memref<10112x80xf32, #tpu.memory_space<vmem_shared>> -> memref<128x80xf32, #tpu.memory_space<vmem_shared>>
      %dma_start3A_42 = arith.constant 0 : i32
      %dma_start3A_43 = tpu.memref_slice %arg13[%add3A_30, %dma_start3A_42] : memref<10112x80xf32, #tpu.memory_space<vmem_shared>> -> memref<128x80xf32, #tpu.memory_space<vmem_shared>>
      tpu.enqueue_dma source(%dma_start3A_43 : memref<128x80xf32, #tpu.memory_space<vmem_shared>>) target(%arg10 : memref<128x80xf32, #tpu.memory_space<vmem>>) target_semaphore(%run_scoped3A : memref<!tpu.dma_semaphore, #tpu.memory_space<semaphore_mem>>)
      %dma_wait3A = arith.constant 0 : i32
      %dma_wait3A_44 = tpu.memref_slice %arg13[%add3A_30, %dma_wait3A] : memref<10112x80xf32, #tpu.memory_space<vmem_shared>> -> memref<128x80xf32, #tpu.memory_space<vmem_shared>>
      %dma_wait3A_45 = arith.constant 0 : i32
      %dma_wait3A_46 = tpu.memref_slice %arg13[%add3A_30, %dma_wait3A_45] : memref<10112x80xf32, #tpu.memory_space<vmem_shared>> -> memref<128x80xf32, #tpu.memory_space<vmem_shared>>
      tpu.wait_dma2 semaphore(%run_scoped3A : memref<!tpu.dma_semaphore, #tpu.memory_space<semaphore_mem>>) src(%dma_wait3A_46 : memref<128x80xf32, #tpu.memory_space<vmem_shared>>) dst(%arg10 : memref<128x80xf32, #tpu.memory_space<vmem>>)
      tpu.yield
    }) : () -> ()
    %add3A_31 = arith.constant 256 : i32
    %add3A_32 = arith.addi %mul3A_2, %add3A_31 : i32
    "tpu.region"() ({
      %run_scoped3A = tpu.sem_alloc : memref<!tpu.dma_semaphore, #tpu.memory_space<semaphore_mem>>
      %dma_start3A = arith.constant 0 : i32
      %dma_start3A_41 = tpu.memref_slice %arg7[%arg0, %add3A_32, %dma_start3A] : memref<2x10112x80xf32, #tpu.memory_space<hbm>> -> memref<1x128x80xf32, #tpu.memory_space<hbm>>
      %dma_start3A_42 = tpu.memref_squeeze %dma_start3A_41 : memref<1x128x80xf32, #tpu.memory_space<hbm>> -> memref<128x80xf32, #tpu.memory_space<hbm>>
      %dma_start3A_43 = arith.constant 0 : i32
      %dma_start3A_44 = tpu.memref_slice %arg7[%arg0, %add3A_32, %dma_start3A_43] : memref<2x10112x80xf32, #tpu.memory_space<hbm>> -> memref<1x128x80xf32, #tpu.memory_space<hbm>>
      %dma_start3A_45 = tpu.memref_squeeze %dma_start3A_44 : memref<1x128x80xf32, #tpu.memory_space<hbm>> -> memref<128x80xf32, #tpu.memory_space<hbm>>
      tpu.enqueue_dma source(%arg10 : memref<128x80xf32, #tpu.memory_space<vmem>>) target(%dma_start3A_45 : memref<128x80xf32, #tpu.memory_space<hbm>>) target_semaphore(%run_scoped3A : memref<!tpu.dma_semaphore, #tpu.memory_space<semaphore_mem>>)
      %dma_wait3A = arith.constant 0 : i32
      %dma_wait3A_46 = tpu.memref_slice %arg7[%arg0, %add3A_32, %dma_wait3A] : memref<2x10112x80xf32, #tpu.memory_space<hbm>> -> memref<1x128x80xf32, #tpu.memory_space<hbm>>
      %dma_wait3A_47 = tpu.memref_squeeze %dma_wait3A_46 : memref<1x128x80xf32, #tpu.memory_space<hbm>> -> memref<128x80xf32, #tpu.memory_space<hbm>>
      %dma_wait3A_48 = arith.constant 0 : i32
      %dma_wait3A_49 = tpu.memref_slice %arg7[%arg0, %add3A_32, %dma_wait3A_48] : memref<2x10112x80xf32, #tpu.memory_space<hbm>> -> memref<1x128x80xf32, #tpu.memory_space<hbm>>
      %dma_wait3A_50 = tpu.memref_squeeze %dma_wait3A_49 : memref<1x128x80xf32, #tpu.memory_space<hbm>> -> memref<128x80xf32, #tpu.memory_space<hbm>>
      tpu.wait_dma2 semaphore(%run_scoped3A : memref<!tpu.dma_semaphore, #tpu.memory_space<semaphore_mem>>) src(%arg10 : memref<128x80xf32, #tpu.memory_space<vmem>>) dst(%dma_wait3A_50 : memref<128x80xf32, #tpu.memory_space<hbm>>)
      tpu.yield
    }) : () -> ()
    %add3A_33 = arith.constant 384 : i32
    %add3A_34 = arith.addi %mul3A_2, %add3A_33 : i32
    "tpu.region"() ({
      %run_scoped3A = tpu.sem_alloc : memref<!tpu.dma_semaphore, #tpu.memory_space<semaphore_mem>>
      %dma_start3A = arith.constant 0 : i32
      %dma_start3A_41 = tpu.memref_slice %arg13[%add3A_34, %dma_start3A] : memref<10112x80xf32, #tpu.memory_space<vmem_shared>> -> memref<128x80xf32, #tpu.memory_space<vmem_shared>>
      %dma_start3A_42 = arith.constant 0 : i32
      %dma_start3A_43 = tpu.memref_slice %arg13[%add3A_34, %dma_start3A_42] : memref<10112x80xf32, #tpu.memory_space<vmem_shared>> -> memref<128x80xf32, #tpu.memory_space<vmem_shared>>
      tpu.enqueue_dma source(%dma_start3A_43 : memref<128x80xf32, #tpu.memory_space<vmem_shared>>) target(%arg10 : memref<128x80xf32, #tpu.memory_space<vmem>>) target_semaphore(%run_scoped3A : memref<!tpu.dma_semaphore, #tpu.memory_space<semaphore_mem>>)
      %dma_wait3A = arith.constant 0 : i32
      %dma_wait3A_44 = tpu.memref_slice %arg13[%add3A_34, %dma_wait3A] : memref<10112x80xf32, #tpu.memory_space<vmem_shared>> -> memref<128x80xf32, #tpu.memory_space<vmem_shared>>
      %dma_wait3A_45 = arith.constant 0 : i32
      %dma_wait3A_46 = tpu.memref_slice %arg13[%add3A_34, %dma_wait3A_45] : memref<10112x80xf32, #tpu.memory_space<vmem_shared>> -> memref<128x80xf32, #tpu.memory_space<vmem_shared>>
      tpu.wait_dma2 semaphore(%run_scoped3A : memref<!tpu.dma_semaphore, #tpu.memory_space<semaphore_mem>>) src(%dma_wait3A_46 : memref<128x80xf32, #tpu.memory_space<vmem_shared>>) dst(%arg10 : memref<128x80xf32, #tpu.memory_space<vmem>>)
      tpu.yield
    }) : () -> ()
    %add3A_35 = arith.constant 384 : i32
    %add3A_36 = arith.addi %mul3A_2, %add3A_35 : i32
    "tpu.region"() ({
      %run_scoped3A = tpu.sem_alloc : memref<!tpu.dma_semaphore, #tpu.memory_space<semaphore_mem>>
      %dma_start3A = arith.constant 0 : i32
      %dma_start3A_41 = tpu.memref_slice %arg7[%arg0, %add3A_36, %dma_start3A] : memref<2x10112x80xf32, #tpu.memory_space<hbm>> -> memref<1x128x80xf32, #tpu.memory_space<hbm>>
      %dma_start3A_42 = tpu.memref_squeeze %dma_start3A_41 : memref<1x128x80xf32, #tpu.memory_space<hbm>> -> memref<128x80xf32, #tpu.memory_space<hbm>>
      %dma_start3A_43 = arith.constant 0 : i32
      %dma_start3A_44 = tpu.memref_slice %arg7[%arg0, %add3A_36, %dma_start3A_43] : memref<2x10112x80xf32, #tpu.memory_space<hbm>> -> memref<1x128x80xf32, #tpu.memory_space<hbm>>
      %dma_start3A_45 = tpu.memref_squeeze %dma_start3A_44 : memref<1x128x80xf32, #tpu.memory_space<hbm>> -> memref<128x80xf32, #tpu.memory_space<hbm>>
      tpu.enqueue_dma source(%arg10 : memref<128x80xf32, #tpu.memory_space<vmem>>) target(%dma_start3A_45 : memref<128x80xf32, #tpu.memory_space<hbm>>) target_semaphore(%run_scoped3A : memref<!tpu.dma_semaphore, #tpu.memory_space<semaphore_mem>>)
      %dma_wait3A = arith.constant 0 : i32
      %dma_wait3A_46 = tpu.memref_slice %arg7[%arg0, %add3A_36, %dma_wait3A] : memref<2x10112x80xf32, #tpu.memory_space<hbm>> -> memref<1x128x80xf32, #tpu.memory_space<hbm>>
      %dma_wait3A_47 = tpu.memref_squeeze %dma_wait3A_46 : memref<1x128x80xf32, #tpu.memory_space<hbm>> -> memref<128x80xf32, #tpu.memory_space<hbm>>
      %dma_wait3A_48 = arith.constant 0 : i32
      %dma_wait3A_49 = tpu.memref_slice %arg7[%arg0, %add3A_36, %dma_wait3A_48] : memref<2x10112x80xf32, #tpu.memory_space<hbm>> -> memref<1x128x80xf32, #tpu.memory_space<hbm>>
      %dma_wait3A_50 = tpu.memref_squeeze %dma_wait3A_49 : memref<1x128x80xf32, #tpu.memory_space<hbm>> -> memref<128x80xf32, #tpu.memory_space<hbm>>
      tpu.wait_dma2 semaphore(%run_scoped3A : memref<!tpu.dma_semaphore, #tpu.memory_space<semaphore_mem>>) src(%arg10 : memref<128x80xf32, #tpu.memory_space<vmem>>) dst(%dma_wait3A_50 : memref<128x80xf32, #tpu.memory_space<hbm>>)
      tpu.yield
    }) : () -> ()
    %add3A_37 = arith.constant 512 : i32
    %add3A_38 = arith.addi %mul3A_2, %add3A_37 : i32
    "tpu.region"() ({
      %run_scoped3A = tpu.sem_alloc : memref<!tpu.dma_semaphore, #tpu.memory_space<semaphore_mem>>
      %dma_start3A = arith.constant 0 : i32
      %dma_start3A_41 = arith.constant 0 : i32
      %dma_start3A_42 = tpu.memref_slice %arg10[%dma_start3A, %dma_start3A_41] : memref<128x80xf32, #tpu.memory_space<vmem>> -> memref<120x80xf32, #tpu.memory_space<vmem>>
      %dma_start3A_43 = arith.constant 0 : i32
      %dma_start3A_44 = tpu.memref_slice %arg13[%add3A_38, %dma_start3A_43] : memref<10112x80xf32, #tpu.memory_space<vmem_shared>> -> memref<120x80xf32, #tpu.memory_space<vmem_shared>>
      %dma_start3A_45 = arith.constant 0 : i32
      %dma_start3A_46 = arith.constant 0 : i32
      %dma_start3A_47 = tpu.memref_slice %arg10[%dma_start3A_45, %dma_start3A_46] : memref<128x80xf32, #tpu.memory_space<vmem>> -> memref<120x80xf32, #tpu.memory_space<vmem>>
      %dma_start3A_48 = arith.constant 0 : i32
      %dma_start3A_49 = tpu.memref_slice %arg13[%add3A_38, %dma_start3A_48] : memref<10112x80xf32, #tpu.memory_space<vmem_shared>> -> memref<120x80xf32, #tpu.memory_space<vmem_shared>>
      tpu.enqueue_dma source(%dma_start3A_49 : memref<120x80xf32, #tpu.memory_space<vmem_shared>>) target(%dma_start3A_47 : memref<120x80xf32, #tpu.memory_space<vmem>>) target_semaphore(%run_scoped3A : memref<!tpu.dma_semaphore, #tpu.memory_space<semaphore_mem>>)
      %dma_wait3A = arith.constant 0 : i32
      %dma_wait3A_50 = arith.constant 0 : i32
      %dma_wait3A_51 = tpu.memref_slice %arg10[%dma_wait3A, %dma_wait3A_50] : memref<128x80xf32, #tpu.memory_space<vmem>> -> memref<120x80xf32, #tpu.memory_space<vmem>>
      %dma_wait3A_52 = arith.constant 0 : i32
      %dma_wait3A_53 = tpu.memref_slice %arg13[%add3A_38, %dma_wait3A_52] : memref<10112x80xf32, #tpu.memory_space<vmem_shared>> -> memref<120x80xf32, #tpu.memory_space<vmem_shared>>
      %dma_wait3A_54 = arith.constant 0 : i32
      %dma_wait3A_55 = arith.constant 0 : i32
      %dma_wait3A_56 = tpu.memref_slice %arg10[%dma_wait3A_54, %dma_wait3A_55] : memref<128x80xf32, #tpu.memory_space<vmem>> -> memref<120x80xf32, #tpu.memory_space<vmem>>
      %dma_wait3A_57 = arith.constant 0 : i32
      %dma_wait3A_58 = tpu.memref_slice %arg13[%add3A_38, %dma_wait3A_57] : memref<10112x80xf32, #tpu.memory_space<vmem_shared>> -> memref<120x80xf32, #tpu.memory_space<vmem_shared>>
      tpu.wait_dma2 semaphore(%run_scoped3A : memref<!tpu.dma_semaphore, #tpu.memory_space<semaphore_mem>>) src(%dma_wait3A_58 : memref<120x80xf32, #tpu.memory_space<vmem_shared>>) dst(%dma_wait3A_56 : memref<120x80xf32, #tpu.memory_space<vmem>>)
      tpu.yield
    }) : () -> ()
    %add3A_39 = arith.constant 512 : i32
    %add3A_40 = arith.addi %mul3A_2, %add3A_39 : i32
    "tpu.region"() ({
      %run_scoped3A = tpu.sem_alloc : memref<!tpu.dma_semaphore, #tpu.memory_space<semaphore_mem>>
      %dma_start3A = arith.constant 0 : i32
      %dma_start3A_41 = arith.constant 0 : i32
      %dma_start3A_42 = tpu.memref_slice %arg10[%dma_start3A, %dma_start3A_41] : memref<128x80xf32, #tpu.memory_space<vmem>> -> memref<120x80xf32, #tpu.memory_space<vmem>>
      %dma_start3A_43 = arith.constant 0 : i32
      %dma_start3A_44 = tpu.memref_slice %arg7[%arg0, %add3A_40, %dma_start3A_43] : memref<2x10112x80xf32, #tpu.memory_space<hbm>> -> memref<1x120x80xf32, #tpu.memory_space<hbm>>
      %dma_start3A_45 = tpu.memref_squeeze %dma_start3A_44 : memref<1x120x80xf32, #tpu.memory_space<hbm>> -> memref<120x80xf32, #tpu.memory_space<hbm>>
      %dma_start3A_46 = arith.constant 0 : i32
      %dma_start3A_47 = tpu.memref_slice %arg7[%arg0, %add3A_40, %dma_start3A_46] : memref<2x10112x80xf32, #tpu.memory_space<hbm>> -> memref<1x120x80xf32, #tpu.memory_space<hbm>>
      %dma_start3A_48 = tpu.memref_squeeze %dma_start3A_47 : memref<1x120x80xf32, #tpu.memory_space<hbm>> -> memref<120x80xf32, #tpu.memory_space<hbm>>
      %dma_start3A_49 = arith.constant 0 : i32
      %dma_start3A_50 = arith.constant 0 : i32
      %dma_start3A_51 = tpu.memref_slice %arg10[%dma_start3A_49, %dma_start3A_50] : memref<128x80xf32, #tpu.memory_space<vmem>> -> memref<120x80xf32, #tpu.memory_space<vmem>>
      tpu.enqueue_dma source(%dma_start3A_51 : memref<120x80xf32, #tpu.memory_space<vmem>>) target(%dma_start3A_48 : memref<120x80xf32, #tpu.memory_space<hbm>>) target_semaphore(%run_scoped3A : memref<!tpu.dma_semaphore, #tpu.memory_space<semaphore_mem>>)
      %dma_wait3A = arith.constant 0 : i32
      %dma_wait3A_52 = arith.constant 0 : i32
      %dma_wait3A_53 = tpu.memref_slice %arg10[%dma_wait3A, %dma_wait3A_52] : memref<128x80xf32, #tpu.memory_space<vmem>> -> memref<120x80xf32, #tpu.memory_space<vmem>>
      %dma_wait3A_54 = arith.constant 0 : i32
      %dma_wait3A_55 = tpu.memref_slice %arg7[%arg0, %add3A_40, %dma_wait3A_54] : memref<2x10112x80xf32, #tpu.memory_space<hbm>> -> memref<1x120x80xf32, #tpu.memory_space<hbm>>
      %dma_wait3A_56 = tpu.memref_squeeze %dma_wait3A_55 : memref<1x120x80xf32, #tpu.memory_space<hbm>> -> memref<120x80xf32, #tpu.memory_space<hbm>>
      %dma_wait3A_57 = arith.constant 0 : i32
      %dma_wait3A_58 = tpu.memref_slice %arg7[%arg0, %add3A_40, %dma_wait3A_57] : memref<2x10112x80xf32, #tpu.memory_space<hbm>> -> memref<1x120x80xf32, #tpu.memory_space<hbm>>
      %dma_wait3A_59 = tpu.memref_squeeze %dma_wait3A_58 : memref<1x120x80xf32, #tpu.memory_space<hbm>> -> memref<120x80xf32, #tpu.memory_space<hbm>>
      %dma_wait3A_60 = arith.constant 0 : i32
      %dma_wait3A_61 = arith.constant 0 : i32
      %dma_wait3A_62 = tpu.memref_slice %arg10[%dma_wait3A_60, %dma_wait3A_61] : memref<128x80xf32, #tpu.memory_space<vmem>> -> memref<120x80xf32, #tpu.memory_space<vmem>>
      tpu.wait_dma2 semaphore(%run_scoped3A : memref<!tpu.dma_semaphore, #tpu.memory_space<semaphore_mem>>) src(%dma_wait3A_62 : memref<120x80xf32, #tpu.memory_space<vmem>>) dst(%dma_wait3A_59 : memref<120x80xf32, #tpu.memory_space<hbm>>)
      tpu.yield
    }) : () -> ()
    return
  }
}

module attributes {stable_mosaic.version = 14 : i64} {
  func.func @_tc1_body(%arg0: memref<10000x128xf32, #tpu.memory_space<vmem>>, %arg1: memref<128x64xf32, #tpu.memory_space<vmem>>, %arg2: memref<64x8xf32, #tpu.memory_space<vmem>>, %arg3: memref<64x8xf32, #tpu.memory_space<vmem>>, %arg4: memref<10000x80xf32, #tpu.memory_space<vmem>>, %arg5: memref<10016x8xf32, #tpu.memory_space<vmem>>) attributes {dimension_semantics = [], scalar_prefetch = 0 : i64, scratch_operands = 0 : i64, tpu.core_type = #tpu.core_type<tc>} {
    %get3A = arith.constant 0 : index
    %get3A_0 = arith.constant 0 : index
    %get3A_1 = vector.load %arg0[%get3A, %get3A_0] : memref<10000x128xf32, #tpu.memory_space<vmem>>, vector<10000x128xf32>
    %get3A_2 = arith.constant 0 : index
    %get3A_3 = arith.constant 0 : index
    %get3A_4 = vector.load %arg1[%get3A_2, %get3A_3] : memref<128x64xf32, #tpu.memory_space<vmem>>, vector<128x64xf32>
    %dot_general3A = arith.constant dense<0.000000e+00> : vector<10000x64xf32>
    %dot_general3A_5 = tpu.matmul %get3A_1, %get3A_4, %dot_general3A {dimension_numbers = #tpu.dot_dimension_numbers<[1], [0], [0], [1], [0, 0, 1, 1], [], []>, transpose_lhs_hint = false} : vector<10000x128xf32>, vector<128x64xf32>, vector<10000x64xf32> -> vector<10000x64xf32>
    %get3A_6 = arith.constant 0 : index
    %get3A_7 = arith.constant 0 : index
    %get3A_8 = vector.load %arg2[%get3A_6, %get3A_7] : memref<64x8xf32, #tpu.memory_space<vmem>>, vector<64x8xf32>
    %dot_general3A_9 = arith.constant dense<0.000000e+00> : vector<10000x8xf32>
    %dot_general3A_10 = tpu.matmul %dot_general3A_5, %get3A_8, %dot_general3A_9 {dimension_numbers = #tpu.dot_dimension_numbers<[1], [0], [0], [1], [0, 0, 1, 1], [], []>, transpose_lhs_hint = false} : vector<10000x64xf32>, vector<64x8xf32>, vector<10000x8xf32> -> vector<10000x8xf32>
    %get3A_11 = arith.constant 0 : index
    %get3A_12 = arith.constant 0 : index
    %get3A_13 = vector.load %arg3[%get3A_11, %get3A_12] : memref<64x8xf32, #tpu.memory_space<vmem>>, vector<64x8xf32>
    %dot_general3A_14 = arith.constant dense<0.000000e+00> : vector<10000x8xf32>
    %dot_general3A_15 = tpu.matmul %dot_general3A_5, %get3A_13, %dot_general3A_14 {dimension_numbers = #tpu.dot_dimension_numbers<[1], [0], [0], [1], [0, 0, 1, 1], [], []>, transpose_lhs_hint = false} : vector<10000x64xf32>, vector<64x8xf32>, vector<10000x8xf32> -> vector<10000x8xf32>
    %broadcast_in_dim3A = arith.constant 0.000000e+00 : f32
    %broadcast_in_dim3A_16 = vector.broadcast %broadcast_in_dim3A : f32 to vector<10000x8xf32>
    %concatenate3A = tpu.concatenate %dot_general3A_5, %dot_general3A_10, %broadcast_in_dim3A_16 in 1 : vector<10000x64xf32>, vector<10000x8xf32>, vector<10000x8xf32> -> vector<10000x80xf32>
    %swap3A = arith.constant 0 : index
    %swap3A_17 = arith.constant 0 : index
    %swap3A_18 = vector.load %arg4[%swap3A, %swap3A_17] : memref<10000x80xf32, #tpu.memory_space<vmem>>, vector<10000x80xf32>
    tpu.vector_store %arg4[%swap3A, %swap3A_17], %concatenate3A {strides = array<i32>} : memref<10000x80xf32, #tpu.memory_space<vmem>>, vector<10000x80xf32>,
    %broadcast_in_dim3A_19 = arith.constant 0.000000e+00 : f32
    %broadcast_in_dim3A_20 = vector.broadcast %broadcast_in_dim3A_19 : f32 to vector<16x8xf32>
    %concatenate3A_21 = tpu.concatenate %dot_general3A_15, %broadcast_in_dim3A_20 in 0 : vector<10000x8xf32>, vector<16x8xf32> -> vector<10016x8xf32>
    %swap3A_22 = arith.constant 0 : index
    %swap3A_23 = arith.constant 0 : index
    %swap3A_24 = vector.load %arg5[%swap3A_22, %swap3A_23] : memref<10016x8xf32, #tpu.memory_space<vmem>>, vector<10016x8xf32>
    tpu.vector_store %arg5[%swap3A_22, %swap3A_23], %concatenate3A_21 {strides = array<i32>} : memref<10016x8xf32, #tpu.memory_space<vmem>>, vector<10016x8xf32>,
    return
  }
}

module attributes {stable_mosaic.version = 14 : i64} {
  func.func @_tc2_body(%arg0: memref<2x10112x80xf32, #tpu.memory_space<vmem>>, %arg1: memref<1x64xf32, #tpu.memory_space<vmem>>, %arg2: memref<64x16xf32, #tpu.memory_space<vmem>>, %arg3: memref<16x1xf32, #tpu.memory_space<vmem>>, %arg4: memref<16x1xf32, #tpu.memory_space<vmem>>, %arg5: memref<8x64xf32, #tpu.memory_space<vmem>>, %arg6: memref<10000x24xf32, #tpu.memory_space<vmem>>, %arg7: memref<10016x8xf32, #tpu.memory_space<vmem>>) attributes {dimension_semantics = [], scalar_prefetch = 0 : i64, scratch_operands = 0 : i64, tpu.core_type = #tpu.core_type<tc>} {
    %get3A = arith.constant 0 : index
    %get3A_0 = arith.constant 0 : index
    %get3A_1 = arith.constant 0 : index
    %get3A_2 = vector.load %arg0[%get3A, %get3A_0, %get3A_1] : memref<2x10112x80xf32, #tpu.memory_space<vmem>>, vector<1x10000x64xf32>
    %get3A_3 = vector.shape_cast %get3A_2 : vector<1x10000x64xf32> to vector<10000x64xf32>
    %get3A_4 = arith.constant 1 : index
    %get3A_5 = arith.constant 0 : index
    %get3A_6 = arith.constant 0 : index
    %get3A_7 = vector.load %arg0[%get3A_4, %get3A_5, %get3A_6] : memref<2x10112x80xf32, #tpu.memory_space<vmem>>, vector<1x10000x64xf32>
    %get3A_8 = vector.shape_cast %get3A_7 : vector<1x10000x64xf32> to vector<10000x64xf32>
    %add3A = arith.addf %get3A_3, %get3A_8 : vector<10000x64xf32>
    %get3A_9 = arith.constant 0 : index
    %get3A_10 = arith.constant 0 : index
    %get3A_11 = arith.constant 64 : index
    %get3A_12 = vector.load %arg0[%get3A_9, %get3A_10, %get3A_11] : memref<2x10112x80xf32, #tpu.memory_space<vmem>>, vector<1x10000x8xf32>
    %get3A_13 = vector.shape_cast %get3A_12 : vector<1x10000x8xf32> to vector<10000x8xf32>
    %get3A_14 = arith.constant 1 : index
    %get3A_15 = arith.constant 0 : index
    %get3A_16 = arith.constant 64 : index
    %get3A_17 = vector.load %arg0[%get3A_14, %get3A_15, %get3A_16] : memref<2x10112x80xf32, #tpu.memory_space<vmem>>, vector<1x10000x8xf32>
    %get3A_18 = vector.shape_cast %get3A_17 : vector<1x10000x8xf32> to vector<10000x8xf32>
    %add3A_19 = arith.addf %get3A_13, %get3A_18 : vector<10000x8xf32>
    %get3A_20 = arith.constant 0 : index
    %get3A_21 = arith.constant 0 : index
    %get3A_22 = vector.load %arg5[%get3A_20, %get3A_21] : memref<8x64xf32, #tpu.memory_space<vmem>>, vector<8x64xf32>
    %dot_general3A = arith.constant dense<0.000000e+00> : vector<10000x64xf32>
    %dot_general3A_23 = tpu.matmul %add3A_19, %get3A_22, %dot_general3A {dimension_numbers = #tpu.dot_dimension_numbers<[1], [0], [0], [1], [0, 0, 1, 1], [], []>, transpose_lhs_hint = false} : vector<10000x8xf32>, vector<8x64xf32>, vector<10000x64xf32> -> vector<10000x64xf32>
    %add3A_24 = arith.constant 1.000000e-16 : f32
    %add3A_25 = vector.broadcast %add3A_24 : f32 to vector<10000x64xf32>
    %add3A_26 = arith.addf %dot_general3A_23, %add3A_25 : vector<10000x64xf32>
    %div3A = arith.divf %add3A, %add3A_26 : vector<10000x64xf32>
    %get3A_27 = arith.constant 0 : index
    %get3A_28 = arith.constant 0 : index
    %get3A_29 = vector.load %arg1[%get3A_27, %get3A_28] : memref<1x64xf32, #tpu.memory_space<vmem>>, vector<1x64xf32>
    %add3A_30 = vector.broadcast %get3A_29 : vector<1x64xf32> to vector<10000x64xf32>
    %add3A_31 = arith.addf %div3A, %add3A_30 : vector<10000x64xf32>
    %gt3A = arith.constant 0.000000e+00 : f32
    %gt3A_32 = vector.broadcast %gt3A : f32 to vector<10000x64xf32>
    %gt3A_33 = arith.cmpf ogt, %add3A_31, %gt3A_32 : vector<10000x64xf32>
    %min3A = arith.constant 0.000000e+00 : f32
    %min3A_34 = vector.broadcast %min3A : f32 to vector<10000x64xf32>
    %min3A_35 = arith.minimumf %add3A_31, %min3A_34 : vector<10000x64xf32>
    %exp3A = math.exp %min3A_35 : vector<10000x64xf32>
    %sub3A = arith.constant 1.000000e+00 : f32
    %sub3A_36 = vector.broadcast %sub3A : f32 to vector<10000x64xf32>
    %sub3A_37 = arith.subf %exp3A, %sub3A_36 : vector<10000x64xf32>
    %select_n3A = arith.select %gt3A_33, %add3A_31, %sub3A_37 : vector<10000x64xi1>, vector<10000x64xf32>
    %get3A_38 = arith.constant 0 : index
    %get3A_39 = arith.constant 0 : index
    %get3A_40 = vector.load %arg2[%get3A_38, %get3A_39] : memref<64x16xf32, #tpu.memory_space<vmem>>, vector<64x16xf32>
    %dot_general3A_41 = arith.constant dense<0.000000e+00> : vector<10000x16xf32>
    %dot_general3A_42 = tpu.matmul %select_n3A, %get3A_40, %dot_general3A_41 {dimension_numbers = #tpu.dot_dimension_numbers<[1], [0], [0], [1], [0, 0, 1, 1], [], []>, transpose_lhs_hint = false} : vector<10000x64xf32>, vector<64x16xf32>, vector<10000x16xf32> -> vector<10000x16xf32>
    %get3A_43 = arith.constant 0 : index
    %get3A_44 = arith.constant 0 : index
    %get3A_45 = vector.load %arg3[%get3A_43, %get3A_44] : memref<16x1xf32, #tpu.memory_space<vmem>>, vector<16x1xf32>
    %dot_general3A_46 = arith.constant dense<0.000000e+00> : vector<10000x1xf32>
    %dot_general3A_47 = tpu.matmul %dot_general3A_42, %get3A_45, %dot_general3A_46 {dimension_numbers = #tpu.dot_dimension_numbers<[1], [0], [0], [1], [0, 0, 1, 1], [], []>, transpose_lhs_hint = false} : vector<10000x16xf32>, vector<16x1xf32>, vector<10000x1xf32> -> vector<10000x1xf32>
    %get3A_48 = arith.constant 0 : index
    %get3A_49 = arith.constant 0 : index
    %get3A_50 = vector.load %arg4[%get3A_48, %get3A_49] : memref<16x1xf32, #tpu.memory_space<vmem>>, vector<16x1xf32>
    %dot_general3A_51 = arith.constant dense<0.000000e+00> : vector<10000x1xf32>
    %dot_general3A_52 = tpu.matmul %dot_general3A_42, %get3A_50, %dot_general3A_51 {dimension_numbers = #tpu.dot_dimension_numbers<[1], [0], [0], [1], [0, 0, 1, 1], [], []>, transpose_lhs_hint = false} : vector<10000x16xf32>, vector<16x1xf32>, vector<10000x1xf32> -> vector<10000x1xf32>
    %broadcast_in_dim3A = arith.constant 0.000000e+00 : f32
    %broadcast_in_dim3A_53 = vector.broadcast %broadcast_in_dim3A : f32 to vector<10000x7xf32>
    %concatenate3A = tpu.concatenate %dot_general3A_42, %dot_general3A_47, %broadcast_in_dim3A_53 in 1 : vector<10000x16xf32>, vector<10000x1xf32>, vector<10000x7xf32> -> vector<10000x24xf32>
    %swap3A = arith.constant 0 : index
    %swap3A_54 = arith.constant 0 : index
    %swap3A_55 = vector.load %arg6[%swap3A, %swap3A_54] : memref<10000x24xf32, #tpu.memory_space<vmem>>, vector<10000x24xf32>
    tpu.vector_store %arg6[%swap3A, %swap3A_54], %concatenate3A {strides = array<i32>} : memref<10000x24xf32, #tpu.memory_space<vmem>>, vector<10000x24xf32>,
    %broadcast_in_dim3A_56 = arith.constant 0.000000e+00 : f32
    %broadcast_in_dim3A_57 = vector.broadcast %broadcast_in_dim3A_56 : f32 to vector<10000x7xf32>
    %concatenate3A_58 = tpu.concatenate %dot_general3A_52, %broadcast_in_dim3A_57 in 1 : vector<10000x1xf32>, vector<10000x7xf32> -> vector<10000x8xf32>
    %broadcast_in_dim3A_59 = arith.constant 0.000000e+00 : f32
    %broadcast_in_dim3A_60 = vector.broadcast %broadcast_in_dim3A_59 : f32 to vector<16x8xf32>
    %concatenate3A_61 = tpu.concatenate %concatenate3A_58, %broadcast_in_dim3A_60 in 0 : vector<10000x8xf32>, vector<16x8xf32> -> vector<10016x8xf32>
    %swap3A_62 = arith.constant 0 : index
    %swap3A_63 = arith.constant 0 : index
    %swap3A_64 = vector.load %arg7[%swap3A_62, %swap3A_63] : memref<10016x8xf32, #tpu.memory_space<vmem>>, vector<10016x8xf32>
    tpu.vector_store %arg7[%swap3A_62, %swap3A_63], %concatenate3A_61 {strides = array<i32>} : memref<10016x8xf32, #tpu.memory_space<vmem>>, vector<10016x8xf32>,
    return
  }
}

module attributes {stable_mosaic.version = 14 : i64} {
  func.func @_tc3_body(%arg0: memref<2x10112x24xf32, #tpu.memory_space<vmem>>, %arg1: memref<1x16xf32, #tpu.memory_space<vmem>>, %arg2: memref<10000x16xf32, #tpu.memory_space<vmem>>) attributes {dimension_semantics = [], scalar_prefetch = 0 : i64, scratch_operands = 0 : i64, tpu.core_type = #tpu.core_type<tc>} {
    %get3A = arith.constant 0 : index
    %get3A_0 = arith.constant 0 : index
    %get3A_1 = arith.constant 0 : index
    %get3A_2 = vector.load %arg0[%get3A, %get3A_0, %get3A_1] : memref<2x10112x24xf32, #tpu.memory_space<vmem>>, vector<1x10000x16xf32>
    %get3A_3 = vector.shape_cast %get3A_2 : vector<1x10000x16xf32> to vector<10000x16xf32>
    %get3A_4 = arith.constant 1 : index
    %get3A_5 = arith.constant 0 : index
    %get3A_6 = arith.constant 0 : index
    %get3A_7 = vector.load %arg0[%get3A_4, %get3A_5, %get3A_6] : memref<2x10112x24xf32, #tpu.memory_space<vmem>>, vector<1x10000x16xf32>
    %get3A_8 = vector.shape_cast %get3A_7 : vector<1x10000x16xf32> to vector<10000x16xf32>
    %add3A = arith.addf %get3A_3, %get3A_8 : vector<10000x16xf32>
    %get3A_9 = arith.constant 0 : index
    %get3A_10 = arith.constant 0 : index
    %get3A_11 = arith.constant 16 : index
    %get3A_12 = vector.load %arg0[%get3A_9, %get3A_10, %get3A_11] : memref<2x10112x24xf32, #tpu.memory_space<vmem>>, vector<1x10000x1xf32>
    %get3A_13 = vector.shape_cast %get3A_12 : vector<1x10000x1xf32> to vector<10000x1xf32>
    %get3A_14 = arith.constant 1 : index
    %get3A_15 = arith.constant 0 : index
    %get3A_16 = arith.constant 16 : index
    %get3A_17 = vector.load %arg0[%get3A_14, %get3A_15, %get3A_16] : memref<2x10112x24xf32, #tpu.memory_space<vmem>>, vector<1x10000x1xf32>
    %get3A_18 = vector.shape_cast %get3A_17 : vector<1x10000x1xf32> to vector<10000x1xf32>
    %add3A_19 = arith.addf %get3A_13, %get3A_18 : vector<10000x1xf32>
    %add3A_20 = arith.constant 1.000000e-16 : f32
    %add3A_21 = vector.broadcast %add3A_20 : f32 to vector<10000x1xf32>
    %add3A_22 = arith.addf %add3A_19, %add3A_21 : vector<10000x1xf32>
    %div3A = vector.broadcast %add3A_22 : vector<10000x1xf32> to vector<10000x16xf32>
    %div3A_23 = arith.divf %add3A, %div3A : vector<10000x16xf32>
    %get3A_24 = arith.constant 0 : index
    %get3A_25 = arith.constant 0 : index
    %get3A_26 = vector.load %arg1[%get3A_24, %get3A_25] : memref<1x16xf32, #tpu.memory_space<vmem>>, vector<1x16xf32>
    %add3A_27 = vector.broadcast %get3A_26 : vector<1x16xf32> to vector<10000x16xf32>
    %add3A_28 = arith.addf %div3A_23, %add3A_27 : vector<10000x16xf32>
    %reduce_max3A = arith.constant dense<0xFF800000> : vector<10000xf32>
    %reduce_max3A_29 = vector.multi_reduction <maximumf>, %add3A_28, %reduce_max3A [1] : vector<10000x16xf32> to vector<10000xf32>
    %broadcast_in_dim3A = vector.shape_cast %reduce_max3A_29 : vector<10000xf32> to vector<10000x1xf32>
    %sub3A = vector.broadcast %broadcast_in_dim3A : vector<10000x1xf32> to vector<10000x16xf32>
    %sub3A_30 = arith.subf %add3A_28, %sub3A : vector<10000x16xf32>
    %exp3A = math.exp %sub3A_30 : vector<10000x16xf32>
    %reduce_sum3A = arith.constant dense<0.000000e+00> : vector<10000xf32>
    %reduce_sum3A_31 = vector.multi_reduction <add>, %exp3A, %reduce_sum3A [1] : vector<10000x16xf32> to vector<10000xf32>
    %broadcast_in_dim3A_32 = vector.shape_cast %reduce_sum3A_31 : vector<10000xf32> to vector<10000x1xf32>
    %log3A = math.log %broadcast_in_dim3A_32 : vector<10000x1xf32>
    %add3A_33 = arith.addf %broadcast_in_dim3A, %log3A : vector<10000x1xf32>
    %sub3A_34 = vector.broadcast %add3A_33 : vector<10000x1xf32> to vector<10000x16xf32>
    %sub3A_35 = arith.subf %add3A_28, %sub3A_34 : vector<10000x16xf32>
    %swap3A = arith.constant 0 : index
    %swap3A_36 = arith.constant 0 : index
    %swap3A_37 = vector.load %arg2[%swap3A, %swap3A_36] : memref<10000x16xf32, #tpu.memory_space<vmem>>, vector<10000x16xf32>
    tpu.vector_store %arg2[%swap3A, %swap3A_36], %sub3A_35 {strides = array<i32>} : memref<10000x16xf32, #tpu.memory_space<vmem>>, vector<10000x16xf32>,
    return
  }
}

</mosaic_0001>

<sc_bundles>
// kernel: kernel.10.cloned.1.call-start
scs
__scs_entry_jumppad:
0x0: {  	(pc) =	sbr.rel $0x88, $3  }
0x1: {  	(tag) =	ssettag $0x0;
	lr =	simm.s32 $0x1  }
0x2: {  	[smem:$0x3F97] =	sst lr;
	_ =	strace $0xD0000000  }
0x3: {  	_ = 	snop  }
0x4: {  	_ = 	snop  }
0x5: {  	_ = 	snop  }
0x6: {  	_ = 	snop  }
0x7: {  	_ = 	snop  }
__scs_overlays_trampoline_lowered:
0x8: {  	[smem:$0x3FA6] =	sst s0  }
0x9: {  	[smem:$0x3FA7] =	sst s1  }
0xa: {  	[smem:$0x3FA8] =	sst s2  }
0xb: {  	[smem:$0x3FA9] =	sst s3  }
0xc: {  	[smem:$0x3FAA] =	sst s4  }
0xd: {  	[smem:$0x3FAB] =	sst s5  }
0xe: {  	[smem:$0x3FAC] =	sst s6  }
0xf: {  	[smem:$0x3FAD] =	sst s7  }
0x10: {  	[smem:$0x3FAE] =	sst s8  }
0x11: {  	[smem:$0x3FAF] =	sst s9;
	s0 =	simm.s32 @!p0 $0x0  }
0x12: {  	s1 =	sld [smem:$0x3F95];
	s0 =	simm.s32 @p0 $0x1  }
0x13: {  	[smem:$0x3FB0] =	sst s0;
	s0 =	simm.s32 @!p1 $0x0  }
0x14: {  	s2 =	sld [smem:$0x3F94];
	s0 =	simm.s32 @p1 $0x1  }
0x15: {  	[smem:$0x3FB1] =	sst s0;
	s0 =	simm.s32 @!p2 $0x0  }
0x16: {  	s3 =	sld [smem:$0x3FDB];
	s0 =	simm.s32 @p2 $0x1  }
0x17: {  	s4 =	simm.s32 $0x1BF5;
	[smem:$0x3FB3] =	sst s0  }
0x18: {  	s0 =	sld [smem:$0x3F96];
	_ =	swait.ge [sflag:s4], $0x0  }
0x19: {  	s7 =	sld [smem:$0x3F97]  }
0x1a: {  	s8 =	sadd.s32 $0xFFFFE003, lr  }
0x1b: {  	s9 =	sadd.s32 $0xFFFFFEF7, lr;
	s5 =	simm.s32 $0xFFFFFFFF;
	p2 =	slt.u32 s8, $0xFFFFF086  }
0x1c: {  	p1 =	slt.u32 s9, $0xF7A;
	s5 =	simm.s32 @!p2 $0x0  }
0x1d: {  	s5 =	simm.s32 @p1 $0x1;
	p0 =	seq.s32 s7, s2  }
0x1e: {  	s7 =	smul.u32 @!p0 $0xF7A, s2;
	p2 =	seq.s32 @!p0 s5, $0x0  }
0x1f: {  	s9 =	smul.u32 $0xF7A, s1;
	s8 =	simm.s32 @!p0 $0x1BF5;
	p2 =	por !p2, p0  }
0x20: {  	[sflag:s8] =	ssyncset.s32 @!p0 $0xFFFFF086;
	s6 =	sadd.s32 @!p0 s3, s7;
	s7 =	simm.s32 @!p0 $0x108  }
0x21: {  	s3 =	sadd.s32 s3, s9;
	s6 =	sadd.s32 @!p0 $0x88, s6;
	s7 =	simm.s32 @p2 $0x1082  }
0x22: {  	[simem:s7], [sflag:s8] =	dma.local @!p0 [hbm:s6], $0xF7A  }
0x23: {  	s9 =	sor.u32 $0xD0000000, s2;
	s6 =	simm.s32 $0x108;
	_ =	swait.ge @!p0 [sflag:s8], $0x0  }
0x24: {  	s3 =	sadd.s32 $0x88, s3;
	s6 =	simm.s32 @!p1 $0x1082;
	[sflag:s4] =	ssyncset.s32 $0xFFFFF086  }
0x25: {  	[simem:s6], [sflag:s4] =	dma.local [hbm:s3], $0xF7A  }
0x26: {  	[smem:$0x3F97] =	sst s1;
	(tag) =	ssettag s2;
	_ =	strace s9  }
0x27: {  	s1 =	sld [smem:$0x3FA7]  }
0x28: {  	s2 =	sld [smem:$0x3FA8]  }
0x29: {  	s4 =	sld [smem:$0x3FAA]  }
0x2a: {  	p0 =	seq.s32 s5, $0x0;
	s5 =	sld [smem:$0x3FAB]  }
0x2b: {  	s6 =	sld [smem:$0x3FAC]  }
0x2c: {  	s7 =	sld [smem:$0x3FAD]  }
0x2d: {  	s3 =	simm.s32 $0x108;
	s8 =	sld [smem:$0x3FAE]  }
0x2e: {  	s3 =	simm.s32 @!p0 $0x1082;
	s9 =	sld [smem:$0x3FAF]  }
0x2f: {  	lr =	sadd.s32 s0, s3;
	s0 =	sld [smem:$0x3FA6]  }
0x30: {  	s3 =	sld [smem:$0x3FA9]  }
0x31: {  	[smem:$0x3FB2] =	sst s10  }
0x32: {  	s10 =	sld [smem:$0x3FB0];
	_ =	sdelay $0x3  }
0x33: {  	p0 =	seq.s32 s10, $0x1;
	s10 =	sld [smem:$0x3FB2];
	_ =	sdelay $0x3  }
0x34: {  	[smem:$0x3FB2] =	sst s10  }
0x35: {  	s10 =	sld [smem:$0x3FB1];
	_ =	sdelay $0x3  }
0x36: {  	p1 =	seq.s32 s10, $0x1;
	s10 =	sld [smem:$0x3FB2];
	_ =	sdelay $0x3  }
0x37: {  	[smem:$0x3FB2] =	sst s10  }
0x38: {  	s10 =	sld [smem:$0x3FB3]  }
0x39: {  	_ = 	snop;
	(pc) =	sbr.ind lr, $3  }
0x3a: {  	_ = 	snop  }
0x3b: {  	_ = 	snop  }
0x3c: {  	p2 =	seq.s32 s10, $0x1;
	s10 =	sld [smem:$0x3FB2]  }
0x3d: {  	_ =	shalt  }
0x3e: {  	_ =	shalt  }
0x3f: {  	_ =	shalt  }
0x40: {  	_ =	shalt  }
0x41: {  	_ =	shalt  }
0x42: {  	_ =	shalt  }
0x43: {  	_ =	shalt  }
0x44: {  	_ =	shalt  }
0x45: {  	_ =	shalt  }
0x46: {  	_ =	shalt  }
0x47: {  	_ =	shalt  }
0x48: {  	_ =	shalt  }
0x49: {  	_ =	shalt  }
0x4a: {  	_ =	shalt  }
0x4b: {  	_ =	shalt  }
0x4c: {  	_ =	shalt  }
0x4d: {  	_ =	shalt  }
0x4e: {  	_ =	shalt  }
0x4f: {  	_ =	shalt  }
0x50: {  	_ =	shalt  }
0x51: {  	_ =	shalt  }
0x52: {  	_ =	shalt  }
0x53: {  	_ =	shalt  }
0x54: {  	_ =	shalt  }
0x55: {  	_ =	shalt  }
0x56: {  	_ =	shalt  }
0x57: {  	_ =	shalt  }
0x58: {  	_ =	shalt  }
0x59: {  	_ =	shalt  }
0x5a: {  	_ =	shalt  }
0x5b: {  	_ =	shalt  }
0x5c: {  	_ =	shalt  }
0x5d: {  	_ =	shalt  }
0x5e: {  	_ =	shalt  }
0x5f: {  	_ =	shalt  }
0x60: {  	_ =	shalt  }
0x61: {  	_ =	shalt  }
0x62: {  	_ =	shalt  }
0x63: {  	_ =	shalt  }
0x64: {  	_ =	shalt  }
0x65: {  	_ =	shalt  }
0x66: {  	_ =	shalt  }
0x67: {  	_ =	shalt  }
0x68: {  	_ =	shalt  }
0x69: {  	_ =	shalt  }
0x6a: {  	_ =	shalt  }
0x6b: {  	_ =	shalt  }
0x6c: {  	_ =	shalt  }
0x6d: {  	_ =	shalt  }
0x6e: {  	_ =	shalt  }
0x6f: {  	_ =	shalt  }
0x70: {  	_ =	shalt  }
0x71: {  	_ =	shalt  }
0x72: {  	_ =	shalt  }
0x73: {  	_ =	shalt  }
0x74: {  	_ =	shalt  }
0x75: {  	_ =	shalt  }
0x76: {  	_ =	shalt  }
0x77: {  	_ =	shalt  }
0x78: {  	_ =	shalt  }
0x79: {  	_ =	shalt  }
0x7a: {  	_ =	shalt  }
0x7b: {  	_ =	shalt  }
0x7c: {  	_ =	shalt  }
0x7d: {  	_ =	shalt  }
0x7e: {  	_ =	shalt  }
0x7f: {  	_ =	shalt  }
0x80: {  	_ =	shalt  }
0x81: {  	_ =	shalt  }
0x82: {  	_ =	shalt  }
0x83: {  	_ =	shalt  }
0x84: {  	_ =	shalt  }
0x85: {  	_ =	shalt  }
0x86: {  	_ =	shalt  }
0x87: {  	_ =	shalt  }
.Lfunc_end0:
.L_simem_size_0:
called_computation.1_lowered:
.L_overlay_start_0:
0x88: {  	s2 =	sld [smem:$0x3FD9]  }
0x89: {  	s3 =	sld [smem:$0x3FFE];
	_ =	sdelay $0x1  }
0x8a: {  	s1 =	srdreg.scid  }
0x8b: {  	s0 =	sand.u32 $0x1, s1  }
0x8c: {  	s17 =	sshll.u32 s0, $0xA;
	s2 =	sadd.s32 s3, s2  }
0x8d: {  	s2 =	sadd.s32 s2, s17  }
0x8e: {  	[smem:$0x3FBE] =	sst s2  }
0x8f: {  	_ = 	snop  }
0x90: {  	s2 =	sld [smem:$0x3FD0];
	(tm) =	ssettm $0x1  }
0x91: {  	s18 =	sld [smem:$0x3FFB];
	_ =	sdelay $0x3  }
0x92: {  	_ =	strace s18  }
0x93: {  	s3 =	sld [smem:$0x3FFC];
	_ =	sdelay $0x3  }
0x94: {  	_ =	strace s3  }
0x95: {  	s3 =	sld [smem:$0x3FFD];
	_ =	sdelay $0x3  }
0x96: {  	_ =	strace s3  }
0x97: {  	_ =	strace $0x8FFFFFFF  }
0x98: {  	s19 =	sld [smem:$0x3FDB];
	_ =	sdelay $0x1  }
0x99: {  	s4 =	simm.s32 $_scs_section_size  }
0x9a: {  	s5 =	simm.s32 $_size__tile_overlayer_lowered;
	s6 =	simm.s32 $_tile_overlayer_lowered  }
0x9b: {  	s22 =	simm.s32 $0x1BFF;
	s21 =	sshll.u32 s6, $0x1;
	s3 =	sadd.s32 s4, s19  }
0x9c: {  	s7 =	simm.s32 $0x0;
	s20 =	sshll.u32 s5, $0x1;
	s5 =	sadd.s32 s21, s3  }
0x9d: {  	[timem:s7], [sflag:s22] =	dma.local [hbm:s5], s20  }
0x9e: {  	_ =	swait.ge [sflag:s22], s20  }
0x9f: {  	s4 =	ssub.s32 $0x0, s20;
	[sflag:s22] =	ssyncset.done $0x0  }
0xa0: {  	[sflag:s22] =	ssyncadd.s32 s4;
	_ =	sdelay $0x1  }
0xa1: {  	s23 =	simm.s32 $0x1B8B  }
0xa2: {  	_ =	swait.ge [sflag:s23], $0x1  }
0xa3: {  	[sflag:s23] =	ssyncset.done $0x0  }
0xa4: {  	s25 =	simm.s32 $0x1B8E;
	s24 =	sld [smem:$0x3FFE];
	[sflag:s23] =	ssyncadd.s32 $0xFFFFFFFF  }
0xa5: {  	s26 =	simm.s32 $execute0_lowered;
	[smem:$0x3FD2] =	sst s25  }
0xa6: {  	s5 =	sshll.u32 s26, $0x1;
	_ =	strace $0x80000049;
	[dreg:$0x1] =	wrdreg $0xFFFFFFFF  }
0xa7: {  	s28 =	simm.s32 $_size_execute0_lowered;
	s3 =	sadd.s32 s3, s5;
	[dreg:$0x0] =	wrdreg $0x0  }
0xa8: {  	s5 =	sshll.u32 s28, $0x1;
	[dreg:$0x2] =	wrdreg s3  }
0xa9: {  	[dreg:$0x3] =	wrdreg s5  }
0xaa: {  	[dreg:$0x4] =	wrdreg $0xC0  }
0xab: {  	_ =	task [dreg:s7], $0x5FFFF  }
0xac: {  	[dreg:$0x1] =	wrdreg $0xFFFFFFFF  }
0xad: {  	[dreg:$0x0] =	wrdreg $0x60  }
0xae: {  	[dreg:$0x2] =	wrdreg s24  }
0xaf: {  	[dreg:$0x3] =	wrdreg s2  }
0xb0: {  	[dreg:$0x4] =	wrdreg $0x15100  }
0xb1: {  	[dreg:$0x5] =	wrdreg $0x9  }
0xb2: {  	_ =	task.clear_ibuf [dreg:s7], $0x6FFFF;
	_ =	strace $0x90000049  }
0xb3: {  	s29 =	simm.s32 $0x9;
	_ =	strace $0x8000004B  }
0xb4: {  	_ =	swait.ge [sflag:s29], $0x1  }
0xb5: {  	[sflag:s29] =	ssyncadd.s32 $0xFFFFFFFF  }
0xb6: {  	_ =	strace $0x9000004B  }
0xb7: {  	_ =	sfence  }
0xb8: {  	s30 =	sld [smem:$0x0];
	_ =	sdelay $0x2  }
0xb9: {  	s31 =	sshll.u32 s1, $0xD;
	s1 =	sshrl.u32 s1, $0x2  }
0xba: {  	s3 =	sand.u32 $0x4000, s31;
	s1 =	sadd.s32 s1, s30  }
0xbb: {  	s0 =	sor.u32 s3, s0;
	s1 =	sshll.u32 s1, $0x11  }
0xbc: {  	s0 =	sor.u32 s1, s0  }
0xbd: {  	s0 =	sadd.s32 $0x8F2B, s0  }
0xbe: {  	[sflag:s0] =	ssyncadd.remote.s32 $0x1  }
0xbf: {  	_ =	sfence.sel $0xFFFF  }
0xc0: {  	[dreg:$0x0] =	wrdreg $0xFFFFFFFF;
	(pc) =	sbr.abs _section_cstart, $3  }
0xc1: {  	[dreg:$0x1] =	wrdreg $0xFFFFFFFF  }
0xc2: {  	_ =	task.clear_ibuf [dreg:s7], $0x2FFFF;
	_ =	strace $0x9FFFFFFF  }
0xc3: {  	(tm) =	ssettm $0x7FFFFFFF  }
tec
execute0_lowered:
.L_overlay_start_1:
0x0: {  	(tag) =	ssettag $0x1  }
0x1: {  	s0 =	rddreg [dreg:$0x0]  }
0x2: {  	s1 =	rddreg [dreg:$0x1]  }
0x3: {  	s2 =	rddreg [dreg:$0x2];
	s3 =	simm.s32 $0x0;
	s4 =	srdreg.scid  }
0x4: {  	s11 =	stileid.u32;
	s22 =	simm.s32 $0x2;
	s23 =	simm.s32 $0x80  }
0x5: {  	s24 =	simm.s32 $0x1;
	s25 =	simm.s32 $0xD00;
	s26 =	simm.s32 $0x1100  }
0x6: {  	s28 =	simm.s32 $0x0;
	s30 =	simm.s32 $0x0;
	s31 =	simm.s32 $0x100  }
0x7: {  	[smem:$0x7FF] =	sst s3;
	s5 =	sadd.s32 $0x1400, s0;
	s6 =	sadd.s32 $0x23E00, s0  }
0x8: {  	s7 =	sadd.s32 $0x19C00, s0;
	s4 =	sand.u32 $0x1, s4;
	s8 =	sadd.s32 $0x8A00, s0  }
0x9: {  	s13 =	smul.u32 $0x3B40, s11;
	s0 =	sadd.s32 $0x8C00, s0;
	s11 =	sshll.u32 s11, $0x1  }
0xa: {  	_ =	strace $0x8000004A;
	s9 =	ssub.s32 $0x2, s4;
	s14 =	sor.u32 s4, s11  }
0xb: {  	s4 =	smul.u32 $0x3B400, s4;
	s10 =	sshrl.u32 s9, $0x1;
	s15 =	sadd.s32 $0xC00, s13  }
0xc: {  	s17 =	sadd.s32 $0x1800, s13;
	s18 =	sadd.s32 $0x2400, s13;
	s19 =	sadd.s32 $0x3000, s13  }
0xd: {  	s14 =	smul.u32 $0x2880, s14;
	s20 =	ssub.s32 s9, s10;
	s9 =	sadd.s32 s13, s2  }
0xe: {  	s10 =	sadd.s32 s15, s2;
	s11 =	sadd.s32 s17, s2;
	s12 =	sadd.s32 s18, s2  }
0xf: {  	s16 =	sadd.s32 s13, s4;
	s13 =	sadd.s32 s19, s2;
	s21 =	sadd.s32 s4, s15  }
0x10: {  	s17 =	sadd.s32 s4, s17;
	s18 =	sadd.s32 s4, s18;
	s4 =	sadd.s32 s4, s19  }
0x11: {  	s16 =	sshrl.u32 s16, $0x3;
	s29 =	sshrl.u32 s21, $0x3;
	s17 =	sshrl.u32 s17, $0x3  }
0x12: {  	s18 =	sshrl.u32 s18, $0x3;
	s4 =	sshrl.u32 s4, $0x3;
	s20 =	smax.u32 s20, $0x1  }
0x13: {  	v0 =	vlaneseq.u32;
	s21 =	simm.s32 $0x100;
	s15 =	sadd.s32 s0, s16;
	s16 =	sadd.s32 s0, s29  }
0x14: {  	v1 =	vor.u32 $0x10, v0;
	s17 =	sadd.s32 s0, s17;
	s18 =	sadd.s32 s0, s18;
	s19 =	sadd.s32 s0, s4  }
.LBB2_1:
0x15: {  	[tilespmem:s21], [sflag:$0x2] =	stream.linear.gather [hbm4b:s8+s3], $0xC00, $0x38;
	[tilespmem:$0x5050] =	vst v63  }
0x16: {  	_ =	swait.ge [sflag:s22], $0xC00  }
0x17: {  	[sflag:s22] =	ssyncset.done $0x0  }
0x18: {  	[sflag:s22] =	ssyncadd.s32 $0xFFFFF400  }
0x19: {  	[spmem:s9] =	stream.linear.scatter [tilespmem:s21], [sflag:$0x2], $0xC00, $0x38;
	[tilespmem:$0x5050] =	vst v63  }
0x1a: {  	_ =	swait.ge [sflag:s22], $0xC00  }
0x1b: {  	[sflag:s22] =	ssyncset.done $0x0  }
0x1c: {  	[sflag:s22] =	ssyncadd.s32 $0xFFFFF400  }
0x1d: {  	[spmem:s10] =	stream.linear.scatter [tilespmem:s21], [sflag:$0x2], $0xC00, $0x38;
	[tilespmem:$0x5050] =	vst v63  }
0x1e: {  	_ =	swait.ge [sflag:s22], $0xC00  }
0x1f: {  	[sflag:s22] =	ssyncset.done $0x0  }
0x20: {  	[sflag:s22] =	ssyncadd.s32 $0xFFFFF400  }
0x21: {  	[spmem:s11] =	stream.linear.scatter [tilespmem:s21], [sflag:$0x2], $0xC00, $0x38;
	[tilespmem:$0x5050] =	vst v63  }
0x22: {  	_ =	swait.ge [sflag:s22], $0xC00  }
0x23: {  	[sflag:s22] =	ssyncset.done $0x0  }
0x24: {  	[sflag:s22] =	ssyncadd.s32 $0xFFFFF400  }
0x25: {  	[spmem:s12] =	stream.linear.scatter [tilespmem:s21], [sflag:$0x2], $0xC00, $0x38;
	[tilespmem:$0x5050] =	vst v63  }
0x26: {  	_ =	swait.ge [sflag:s22], $0xC00  }
0x27: {  	[sflag:s22] =	ssyncset.done $0x0  }
0x28: {  	[sflag:s22] =	ssyncadd.s32 $0xFFFFF400  }
0x29: {  	[spmem:s13] =	stream.linear.scatter [tilespmem:s21], [sflag:$0x2], $0xB40, $0x38;
	[tilespmem:$0x5050] =	vst v63  }
0x2a: {  	_ =	swait.ge [sflag:s22], $0xB40  }
0x2b: {  	[sflag:s22] =	ssyncset.done $0x0  }
0x2c: {  	[sflag:s22] =	ssyncadd.s32 $0xFFFFF4C0  }
0x2d: {  	s29 =	simm.s32 $0x0;
	[bflag:$0x0] =	sbarrier.arrive $0xFFFF  }
.LBB2_2:
0x2e: {  	s0 =	sshll.u32 s29, $0x7  }
0x2f: {  	s0 =	sadd.s32 s14, s0  }
0x30: {  	s0 =	sshrl.u32 s0, $0x3  }
0x31: {  	s4 =	sadd.s32 s6, s0  }
0x32: {  	[tilespmem:s30], [sflag:$0x2] =	stream.linear.gather [hbm4b:s4+s30], $0x80, $0x38;
	[tilespmem:$0x5050] =	vst v63  }
0x33: {  	_ =	swait.ge [sflag:s22], $0x80  }
0x34: {  	[sflag:s22] =	ssyncset.done $0x0  }
0x35: {  	s0 =	sadd.s32 s7, s0;
	[sflag:s22] =	ssyncadd.s32 $0xFFFFFF80  }
0x36: {  	[tilespmem:s23], [sflag:$0x2] =	stream.linear.gather [hbm4b:s0+s30], $0x80, $0x38;
	[tilespmem:$0x5050] =	vst v63  }
0x37: {  	_ =	swait.ge [sflag:s22], $0x80  }
0x38: {  	[sflag:s22] =	ssyncset.done $0x0  }
0x39: {  	[sflag:s22] =	ssyncadd.s32 $0xFFFFFF80  }
0x3a: {  	[tilespmem:s21], [sflag:$0x1] =	stream.indirect.gather [hbm4b:s5+s23], $0x18, s30, s23, $0xb8;
	[tilespmem:$0x5050] =	vst v63  }
0x3b: {  	v2 =	vor.u32 s30, v0;
	_ =	swait.ge [sflag:s24], $0xC00  }
0x3c: {  	v3 =	vmul.u32 $0x18, v2;
	[sflag:s24] =	ssyncset.done $0x0  }
0x3d: {  	v2 =	vshll.u32 v2, $0x3;
	[sflag:s24] =	ssyncadd.s32 $0xFFFFF400  }
0x3e: {  	v3 =	vadd.s32 $0x10, v3;
	[tilespmem:s25], [sflag:$0x1] =	stream.indirect.gather [hbm4b:s1+s23], $0x8, s23, s23, $0xb8;
	[tilespmem:$0x5050] =	vst v63  }
0x3f: {  	_ =	swait.ge [sflag:s24], $0x400  }
0x40: {  	[sflag:s24] =	ssyncset.done $0x0  }
0x41: {  	[sflag:s24] =	ssyncadd.s32 $0xFFFFFC00  }
0x42: {  	v2 =	vld.idx.msk [tilespmem:v2+s25+$0x0], $0xffff  }
0x43: {  	v3 =	vld.idx.msk [tilespmem:v3+s31+$0x0], $0xffff;
	_ =	sdelay $0x4  }
0x44: {  	v2 =	vadd.f32 v2, v3;
	_ =	sdelay $0x1  }
0x45: {  	v3 =	vmul.f32 $2.000000030e-01, v2;
	_ =	sdelay $0x1  }
0x46: {  	v2 =	vmax.f32 v2, v3  }
0x47: {  	v2 =	vmul.f32 $1.442695020e+00, v2;
	_ =	sdelay $0x1  }
0x48: {  	(erf) = vpow2.f32 v2;
	_ =	sdelay $0x2  }
0x49: {  	s4 =	simm.s32 $0x10  }
0x4a: {  	v2 =	vor.u32 s4, v0  }
0x4b: {  	v3 =	vmul.u32 $0x18, v2  }
0x4c: {  	v2 =	vshll.u32 v2, $0x3  }
0x4d: {  	v3 =	vadd.s32 $0x10, v3;
	_ =	sdelay $0x1  }
0x4e: {  	s0 =	simm.s32 $0x1100;
	v4 =	vpop (erf)  }
0x4f: {  	[tilespmem:s0+$0x0] =	vst v4  }
0x50: {  	v2 =	vld.idx.msk [tilespmem:v2+s25+$0x0], $0xffff  }
0x51: {  	v3 =	vld.idx.msk [tilespmem:v3+s31+$0x0], $0xffff;
	_ =	sdelay $0x4  }
0x52: {  	v2 =	vadd.f32 v2, v3;
	_ =	sdelay $0x1  }
0x53: {  	v3 =	vmul.f32 $2.000000030e-01, v2;
	_ =	sdelay $0x1  }
0x54: {  	v2 =	vmax.f32 v2, v3  }
0x55: {  	v2 =	vmul.f32 $1.442695020e+00, v2;
	_ =	sdelay $0x1  }
0x56: {  	(erf) = vpow2.f32 v2;
	_ =	sdelay $0x2  }
0x57: {  	s4 =	simm.s32 $0x20  }
0x58: {  	v2 =	vor.u32 s4, v0;
	s4 =	simm.s32 $0x30  }
.LBB2_3:
0x59: {  	p0 =	sne.s32 s4, $0x70;
	v3 =	vmul.u32 $0x18, v2  }
0x5a: {  	v2 =	vshll.u32 v2, $0x3  }
0x5b: {  	v3 =	vadd.s32 $0x10, v3;
	_ =	sdelay $0x1  }
0x5c: {  	s0 =	sadd.s32 $0x10, s0;
	v4 =	vpop (erf)  }
0x5d: {  	[tilespmem:s0+$0x0] =	vst v4  }
0x5e: {  	v2 =	vld.idx.msk [tilespmem:v2+s25+$0x0], $0xffff  }
0x5f: {  	v3 =	vld.idx.msk [tilespmem:v3+s31+$0x0], $0xffff;
	_ =	sdelay $0x5  }
0x60: {  	v2 =	vadd.f32 v2, v3;
	_ =	sdelay $0x1  }
0x61: {  	v3 =	vmul.f32 $2.000000030e-01, v2;
	_ =	sdelay $0x1  }
0x62: {  	v2 =	vmax.f32 v2, v3  }
0x63: {  	v2 =	vmul.f32 $1.442695020e+00, v2;
	_ =	sdelay $0x1  }
.Ltmp0:
0x64: {  	(erf) = vpow2.f32 v2;
	(pc) =	sbr.rel @p0 .LBB2_3-.Ltmp0, $2  }
0x65: {  	_ =	sdelay $0x2  }
0x66: {  	v2 =	vor.u32 s4, v0;
	s4 =	sadd.s32 $0x10, s4  }
0x67: {  	v3 =	vmul.u32 $0x18, v2  }
0x68: {  	v2 =	vshll.u32 v2, $0x3  }
0x69: {  	v3 =	vadd.s32 $0x10, v3;
	_ =	sdelay $0x1  }
0x6a: {  	s4 =	sadd.s32 $0x10, s0;
	v4 =	vpop (erf)  }
0x6b: {  	[tilespmem:s4+$0x0] =	vst v4  }
0x6c: {  	s0 =	simm.s32 $0x100;
	v2 =	vld.idx.msk [tilespmem:v2+s25+$0x0], $0xffff  }
0x6d: {  	v3 =	vld.idx.msk [tilespmem:v3+s0+$0x0], $0xffff;
	_ =	sdelay $0x4  }
0x6e: {  	v2 =	vadd.f32 v2, v3;
	_ =	sdelay $0x1  }
0x6f: {  	v3 =	vmul.f32 $2.000000030e-01, v2;
	_ =	sdelay $0x1  }
0x70: {  	v2 =	vmax.f32 v2, v3  }
0x71: {  	v2 =	vmul.f32 $1.442695020e+00, v2;
	_ =	sdelay $0x1  }
0x72: {  	(erf) = vpow2.f32 v2;
	_ =	sdelay $0x5  }
0x73: {  	v3 =	vmov s30;
	_ =	sdelay $0x2  }
0x74: {  	s4 =	sadd.s32 $0x10, s4;
	v2 =	vpop (erf)  }
0x75: {  	[tilespmem:s4+$0x0] =	vst v2  }
0x76: {  	v2 =	vld.idx.msk [tilespmem:v3+s26+$0x0], $0xffff  }
0x77: {  	v5 =	vld [tilespmem:s0+$0x0]  }
0x78: {  	v3 =	vmul.u32 $0x18, v3;
	_ =	sdelay $0x1  }
0x79: {  	s4 =	simm.s32 $0x1;
	v4 =	vadd.s32 v1, v3  }
0x7a: {  	v3 =	vmov s4  }
0x7b: {  	s4 =	simm.s32 $0x2;
	v5 =	vmul.f32 v5, v2  }
.LBB2_5:
0x7c: {  	p0 =	sne.s32 s4, $0x7F  }
0x7d: {  	[tilespmem:s0+$0x0] =	vst v5  }
0x7e: {  	[tilespmem:v4+s21+$0x0] =	vst.idx.msk $0xff, v2  }
0x7f: {  	s0 =	sadd.s32 $0x18, s0;
	v2 =	vld.idx.msk [tilespmem:v3+s26+$0x0], $0xffff  }
0x80: {  	v5 =	vld [tilespmem:s0+$0x0]  }
.Ltmp1:
0x81: {  	v3 =	vmul.u32 $0x18, v3;
	(pc) =	sbr.rel @p0 .LBB2_5-.Ltmp1, $4  }
0x82: {  	_ = 	snop  }
0x83: {  	v4 =	vadd.s32 v1, v3  }
0x84: {  	v3 =	vmov s4  }
0x85: {  	s4 =	sadd.s32 $0x1, s4;
	v5 =	vmul.f32 v5, v2  }
0x86: {  	_ =	sdelay $0x2  }
0x87: {  	[tilespmem:s0+$0x0] =	vst v5  }
0x88: {  	[tilespmem:v4+s21+$0x0] =	vst.idx.msk $0xff, v2  }
0x89: {  	s4 =	sadd.s32 $0x18, s0;
	v2 =	vld.idx.msk [tilespmem:v3+s26+$0x0], $0xffff  }
0x8a: {  	v4 =	vld [tilespmem:s4+$0x0]  }
0x8b: {  	v3 =	vmul.u32 $0x18, v3;
	_ =	sdelay $0x1  }
0x8c: {  	v3 =	vadd.s32 v1, v3;
	_ =	sdelay $0x1  }
0x8d: {  	v4 =	vmul.f32 v4, v2  }
0x8e: {  	s29 =	sadd.s32 $0x1, s29  }
0x8f: {  	p0 =	sne.s32 s29, $0x51;
	[tilespmem:s4+$0x0] =	vst v4  }
.Ltmp2:
0x90: {  	[tilespmem:v3+s21+$0x0] =	vst.idx.msk $0xff, v2;
	(pc) =	sbr.rel @p0 .LBB2_2-.Ltmp2, $4  }
0x91: {  	[spmem:s2] =	stream.indirect.scatter.add.f32 [tilespmem:s21], [sflag:$0x2], $0x18, s23, s23, $0xb8;
	[tilespmem:$0x5050] =	vst v63  }
0x92: {  	_ =	swait.ge [sflag:s22], $0xC00  }
0x93: {  	[sflag:s22] =	ssyncset.done $0x0  }
0x94: {  	[sflag:s22] =	ssyncadd.s32 $0xFFFFF400  }
0x95: {  	[bflag:$0x0] =	sbarrier.arrive $0xFFFF  }
0x96: {  	[tilespmem:s21], [sflag:$0x2] =	stream.linear.gather [spmem:s9], $0xC00, $0x38;
	[tilespmem:$0x5050] =	vst v63  }
0x97: {  	_ =	swait.ge [sflag:s22], $0xC00  }
0x98: {  	[sflag:s22] =	ssyncset.done $0x0  }
0x99: {  	[sflag:s22] =	ssyncadd.s32 $0xFFFFF400  }
0x9a: {  	[hbm4b:s15+s3] =	stream.linear.scatter [tilespmem:s21], [sflag:$0x2], $0xC00, $0x38;
	[tilespmem:$0x5050] =	vst v63  }
0x9b: {  	_ =	swait.ge [sflag:s22], $0xC00  }
0x9c: {  	[sflag:s22] =	ssyncset.done $0x0  }
0x9d: {  	[sflag:s22] =	ssyncadd.s32 $0xFFFFF400  }
0x9e: {  	[tilespmem:s21], [sflag:$0x2] =	stream.linear.gather [spmem:s10], $0xC00, $0x38;
	[tilespmem:$0x5050] =	vst v63  }
0x9f: {  	_ =	swait.ge [sflag:s22], $0xC00  }
0xa0: {  	[sflag:s22] =	ssyncset.done $0x0  }
0xa1: {  	[sflag:s22] =	ssyncadd.s32 $0xFFFFF400  }
0xa2: {  	[hbm4b:s16+s3] =	stream.linear.scatter [tilespmem:s21], [sflag:$0x2], $0xC00, $0x38;
	[tilespmem:$0x5050] =	vst v63  }
0xa3: {  	_ =	swait.ge [sflag:s22], $0xC00  }
0xa4: {  	[sflag:s22] =	ssyncset.done $0x0  }
0xa5: {  	[sflag:s22] =	ssyncadd.s32 $0xFFFFF400  }
0xa6: {  	[tilespmem:s21], [sflag:$0x2] =	stream.linear.gather [spmem:s11], $0xC00, $0x38;
	[tilespmem:$0x5050] =	vst v63  }
0xa7: {  	_ =	swait.ge [sflag:s22], $0xC00  }
0xa8: {  	[sflag:s22] =	ssyncset.done $0x0  }
0xa9: {  	[sflag:s22] =	ssyncadd.s32 $0xFFFFF400  }
0xaa: {  	[hbm4b:s17+s3] =	stream.linear.scatter [tilespmem:s21], [sflag:$0x2], $0xC00, $0x38;
	[tilespmem:$0x5050] =	vst v63  }
0xab: {  	_ =	swait.ge [sflag:s22], $0xC00  }
0xac: {  	[sflag:s22] =	ssyncset.done $0x0  }
0xad: {  	[sflag:s22] =	ssyncadd.s32 $0xFFFFF400  }
0xae: {  	[tilespmem:s21], [sflag:$0x2] =	stream.linear.gather [spmem:s12], $0xC00, $0x38;
	[tilespmem:$0x5050] =	vst v63  }
0xaf: {  	_ =	swait.ge [sflag:s22], $0xC00  }
0xb0: {  	[sflag:s22] =	ssyncset.done $0x0  }
0xb1: {  	[sflag:s22] =	ssyncadd.s32 $0xFFFFF400  }
0xb2: {  	[hbm4b:s18+s3] =	stream.linear.scatter [tilespmem:s21], [sflag:$0x2], $0xC00, $0x38;
	[tilespmem:$0x5050] =	vst v63  }
0xb3: {  	_ =	swait.ge [sflag:s22], $0xC00  }
0xb4: {  	[sflag:s22] =	ssyncset.done $0x0  }
0xb5: {  	[sflag:s22] =	ssyncadd.s32 $0xFFFFF400  }
0xb6: {  	[tilespmem:s21], [sflag:$0x2] =	stream.linear.gather [spmem:s13], $0xB40, $0x38;
	[tilespmem:$0x5050] =	vst v63  }
0xb7: {  	s28 =	sadd.s32 $0x1, s28;
	_ =	swait.ge [sflag:s22], $0xB40  }
0xb8: {  	p0 =	sne.s32 s28, s20;
	[sflag:s22] =	ssyncset.done $0x0  }
.Ltmp3:
0xb9: {  	[sflag:s22] =	ssyncadd.s32 $0xFFFFF4C0;
	(pc) =	sbr.rel @p0 .LBB2_1-.Ltmp3, $4  }
0xba: {  	[hbm4b:s19+s3] =	stream.linear.scatter [tilespmem:s21], [sflag:$0x2], $0xB40, $0x38;
	[tilespmem:$0x5050] =	vst v63  }
0xbb: {  	_ =	swait.ge [sflag:s22], $0xB40  }
0xbc: {  	[sflag:s22] =	ssyncset.done $0x0  }
0xbd: {  	[sflag:s22] =	ssyncadd.s32 $0xFFFFF4C0  }
0xbe: {  	_ =	sfence.sel $0x180000  }
0xbf: {  	[bflag:$0x0] =	sbarrier.arrive $0xFFFF  }
0xc0: {  	_ =	strace $0x9000004A  }
0xc1: {  	s0 =	stileid.u32;
	[bflag:$0x2] =	sbarrier.arrive $0xFFFF  }
0xc2: {  	p0 =	sne.s32 s0, $0x0;
	s0 =	rddreg [dreg:$0x3]  }
0xc3: {  	s0 =	sadd.s32 @!p0 $0x100000, s0  }
0xc4: {  	[sflag:s0] =	ssyncadd.tile.s32 @!p0 $0x1;
	_ =	shalt  }
.Lfunc_end2:
_tile_overlayer_lowered:
.L_overlay_start_2:
0xc5: {  	(tag) =	ssettag $0x2  }
0xc6: {  	s0 =	rddreg [dreg:$0x0];
	s2 =	stileid.u32  }
0xc7: {  	s1 =	rddreg [dreg:$0x1];
	p0 =	sne.s32 s2, $0x0  }
0xc8: {  	s3 =	rddreg [dreg:$0x2];
	[bflag:$0x3] =	sbarrier.arrive $0xFFFF;
	s2 =	simm.s32 @!p0 $0x1C02  }
0xc9: {  	[timem:s3], [sflag:s2] =	dma.local @!p0 [hbm:s0], s1  }
0xca: {  	s0 =	simm.s32 @!p0 $0x2  }
0xcb: {  	_ =	swait.ge @!p0 [sflag:s0], s1  }
0xcc: {  	s1 =	ssub.s32 @!p0 $0x0, s1;
	[sflag:s0] =	ssyncset.done @!p0 $0x0  }
0xcd: {  	[sflag:s0] =	ssyncadd.s32 @!p0 s1  }
0xce: {  	[bflag:$0x3] =	sbarrier.arrive $0xFFFF  }
0xcf: {  	_ =	shalt  }

// kernel: kernel.7.cloned.1.call-start
scs
__scs_entry_jumppad:
0x0: {  	(pc) =	sbr.rel $0x88, $3  }
0x1: {  	(tag) =	ssettag $0x0;
	lr =	simm.s32 $0x1  }
0x2: {  	[smem:$0x3F97] =	sst lr;
	_ =	strace $0xD0000000  }
0x3: {  	_ = 	snop  }
0x4: {  	_ = 	snop  }
0x5: {  	_ = 	snop  }
0x6: {  	_ = 	snop  }
0x7: {  	_ = 	snop  }
__scs_overlays_trampoline_lowered:
0x8: {  	[smem:$0x3FA6] =	sst s0  }
0x9: {  	[smem:$0x3FA7] =	sst s1  }
0xa: {  	[smem:$0x3FA8] =	sst s2  }
0xb: {  	[smem:$0x3FA9] =	sst s3  }
0xc: {  	[smem:$0x3FAA] =	sst s4  }
0xd: {  	[smem:$0x3FAB] =	sst s5  }
0xe: {  	[smem:$0x3FAC] =	sst s6  }
0xf: {  	[smem:$0x3FAD] =	sst s7  }
0x10: {  	[smem:$0x3FAE] =	sst s8  }
0x11: {  	[smem:$0x3FAF] =	sst s9;
	s0 =	simm.s32 @!p0 $0x0  }
0x12: {  	s1 =	sld [smem:$0x3F95];
	s0 =	simm.s32 @p0 $0x1  }
0x13: {  	[smem:$0x3FB0] =	sst s0;
	s0 =	simm.s32 @!p1 $0x0  }
0x14: {  	s2 =	sld [smem:$0x3F94];
	s0 =	simm.s32 @p1 $0x1  }
0x15: {  	[smem:$0x3FB1] =	sst s0;
	s0 =	simm.s32 @!p2 $0x0  }
0x16: {  	s3 =	sld [smem:$0x3FDB];
	s0 =	simm.s32 @p2 $0x1  }
0x17: {  	s4 =	simm.s32 $0x1BF5;
	[smem:$0x3FB3] =	sst s0  }
0x18: {  	s0 =	sld [smem:$0x3F96];
	_ =	swait.ge [sflag:s4], $0x0  }
0x19: {  	s7 =	sld [smem:$0x3F97]  }
0x1a: {  	s8 =	sadd.s32 $0xFFFFE003, lr  }
0x1b: {  	s9 =	sadd.s32 $0xFFFFFEF7, lr;
	s5 =	simm.s32 $0xFFFFFFFF;
	p2 =	slt.u32 s8, $0xFFFFF086  }
0x1c: {  	p1 =	slt.u32 s9, $0xF7A;
	s5 =	simm.s32 @!p2 $0x0  }
0x1d: {  	s5 =	simm.s32 @p1 $0x1;
	p0 =	seq.s32 s7, s2  }
0x1e: {  	s7 =	smul.u32 @!p0 $0xF7A, s2;
	p2 =	seq.s32 @!p0 s5, $0x0  }
0x1f: {  	s9 =	smul.u32 $0xF7A, s1;
	s8 =	simm.s32 @!p0 $0x1BF5;
	p2 =	por !p2, p0  }
0x20: {  	[sflag:s8] =	ssyncset.s32 @!p0 $0xFFFFF086;
	s6 =	sadd.s32 @!p0 s3, s7;
	s7 =	simm.s32 @!p0 $0x108  }
0x21: {  	s3 =	sadd.s32 s3, s9;
	s6 =	sadd.s32 @!p0 $0x88, s6;
	s7 =	simm.s32 @p2 $0x1082  }
0x22: {  	[simem:s7], [sflag:s8] =	dma.local @!p0 [hbm:s6], $0xF7A  }
0x23: {  	s9 =	sor.u32 $0xD0000000, s2;
	s6 =	simm.s32 $0x108;
	_ =	swait.ge @!p0 [sflag:s8], $0x0  }
0x24: {  	s3 =	sadd.s32 $0x88, s3;
	s6 =	simm.s32 @!p1 $0x1082;
	[sflag:s4] =	ssyncset.s32 $0xFFFFF086  }
0x25: {  	[simem:s6], [sflag:s4] =	dma.local [hbm:s3], $0xF7A  }
0x26: {  	[smem:$0x3F97] =	sst s1;
	(tag) =	ssettag s2;
	_ =	strace s9  }
0x27: {  	s1 =	sld [smem:$0x3FA7]  }
0x28: {  	s2 =	sld [smem:$0x3FA8]  }
0x29: {  	s4 =	sld [smem:$0x3FAA]  }
0x2a: {  	p0 =	seq.s32 s5, $0x0;
	s5 =	sld [smem:$0x3FAB]  }
0x2b: {  	s6 =	sld [smem:$0x3FAC]  }
0x2c: {  	s7 =	sld [smem:$0x3FAD]  }
0x2d: {  	s3 =	simm.s32 $0x108;
	s8 =	sld [smem:$0x3FAE]  }
0x2e: {  	s3 =	simm.s32 @!p0 $0x1082;
	s9 =	sld [smem:$0x3FAF]  }
0x2f: {  	lr =	sadd.s32 s0, s3;
	s0 =	sld [smem:$0x3FA6]  }
0x30: {  	s3 =	sld [smem:$0x3FA9]  }
0x31: {  	[smem:$0x3FB2] =	sst s10  }
0x32: {  	s10 =	sld [smem:$0x3FB0];
	_ =	sdelay $0x3  }
0x33: {  	p0 =	seq.s32 s10, $0x1;
	s10 =	sld [smem:$0x3FB2];
	_ =	sdelay $0x3  }
0x34: {  	[smem:$0x3FB2] =	sst s10  }
0x35: {  	s10 =	sld [smem:$0x3FB1];
	_ =	sdelay $0x3  }
0x36: {  	p1 =	seq.s32 s10, $0x1;
	s10 =	sld [smem:$0x3FB2];
	_ =	sdelay $0x3  }
0x37: {  	[smem:$0x3FB2] =	sst s10  }
0x38: {  	s10 =	sld [smem:$0x3FB3]  }
0x39: {  	_ = 	snop;
	(pc) =	sbr.ind lr, $3  }
0x3a: {  	_ = 	snop  }
0x3b: {  	_ = 	snop  }
0x3c: {  	p2 =	seq.s32 s10, $0x1;
	s10 =	sld [smem:$0x3FB2]  }
0x3d: {  	_ =	shalt  }
0x3e: {  	_ =	shalt  }
0x3f: {  	_ =	shalt  }
0x40: {  	_ =	shalt  }
0x41: {  	_ =	shalt  }
0x42: {  	_ =	shalt  }
0x43: {  	_ =	shalt  }
0x44: {  	_ =	shalt  }
0x45: {  	_ =	shalt  }
0x46: {  	_ =	shalt  }
0x47: {  	_ =	shalt  }
0x48: {  	_ =	shalt  }
0x49: {  	_ =	shalt  }
0x4a: {  	_ =	shalt  }
0x4b: {  	_ =	shalt  }
0x4c: {  	_ =	shalt  }
0x4d: {  	_ =	shalt  }
0x4e: {  	_ =	shalt  }
0x4f: {  	_ =	shalt  }
0x50: {  	_ =	shalt  }
0x51: {  	_ =	shalt  }
0x52: {  	_ =	shalt  }
0x53: {  	_ =	shalt  }
0x54: {  	_ =	shalt  }
0x55: {  	_ =	shalt  }
0x56: {  	_ =	shalt  }
0x57: {  	_ =	shalt  }
0x58: {  	_ =	shalt  }
0x59: {  	_ =	shalt  }
0x5a: {  	_ =	shalt  }
0x5b: {  	_ =	shalt  }
0x5c: {  	_ =	shalt  }
0x5d: {  	_ =	shalt  }
0x5e: {  	_ =	shalt  }
0x5f: {  	_ =	shalt  }
0x60: {  	_ =	shalt  }
0x61: {  	_ =	shalt  }
0x62: {  	_ =	shalt  }
0x63: {  	_ =	shalt  }
0x64: {  	_ =	shalt  }
0x65: {  	_ =	shalt  }
0x66: {  	_ =	shalt  }
0x67: {  	_ =	shalt  }
0x68: {  	_ =	shalt  }
0x69: {  	_ =	shalt  }
0x6a: {  	_ =	shalt  }
0x6b: {  	_ =	shalt  }
0x6c: {  	_ =	shalt  }
0x6d: {  	_ =	shalt  }
0x6e: {  	_ =	shalt  }
0x6f: {  	_ =	shalt  }
0x70: {  	_ =	shalt  }
0x71: {  	_ =	shalt  }
0x72: {  	_ =	shalt  }
0x73: {  	_ =	shalt  }
0x74: {  	_ =	shalt  }
0x75: {  	_ =	shalt  }
0x76: {  	_ =	shalt  }
0x77: {  	_ =	shalt  }
0x78: {  	_ =	shalt  }
0x79: {  	_ =	shalt  }
0x7a: {  	_ =	shalt  }
0x7b: {  	_ =	shalt  }
0x7c: {  	_ =	shalt  }
0x7d: {  	_ =	shalt  }
0x7e: {  	_ =	shalt  }
0x7f: {  	_ =	shalt  }
0x80: {  	_ =	shalt  }
0x81: {  	_ =	shalt  }
0x82: {  	_ =	shalt  }
0x83: {  	_ =	shalt  }
0x84: {  	_ =	shalt  }
0x85: {  	_ =	shalt  }
0x86: {  	_ =	shalt  }
0x87: {  	_ =	shalt  }
.Lfunc_end0:
.L_simem_size_0:
called_computation_lowered:
.L_overlay_start_0:
0x88: {  	s2 =	sld [smem:$0x3FD9]  }
0x89: {  	s3 =	sld [smem:$0x3FFE];
	_ =	sdelay $0x1  }
0x8a: {  	s1 =	srdreg.scid  }
0x8b: {  	s0 =	sand.u32 $0x1, s1  }
0x8c: {  	s17 =	sshll.u32 s0, $0xA;
	s2 =	sadd.s32 s3, s2  }
0x8d: {  	s2 =	sadd.s32 s2, s17  }
0x8e: {  	[smem:$0x3FBE] =	sst s2  }
0x8f: {  	_ = 	snop  }
0x90: {  	s2 =	sld [smem:$0x3FD0];
	(tm) =	ssettm $0x1  }
0x91: {  	s18 =	sld [smem:$0x3FFB];
	_ =	sdelay $0x3  }
0x92: {  	_ =	strace s18  }
0x93: {  	s3 =	sld [smem:$0x3FFC];
	_ =	sdelay $0x3  }
0x94: {  	_ =	strace s3  }
0x95: {  	s3 =	sld [smem:$0x3FFD];
	_ =	sdelay $0x3  }
0x96: {  	_ =	strace s3  }
0x97: {  	_ =	strace $0x8FFFFFFF  }
0x98: {  	s19 =	sld [smem:$0x3FDB];
	_ =	sdelay $0x1  }
0x99: {  	s4 =	simm.s32 $_scs_section_size  }
0x9a: {  	s5 =	simm.s32 $_size__tile_overlayer_lowered;
	s6 =	simm.s32 $_tile_overlayer_lowered  }
0x9b: {  	s22 =	simm.s32 $0x1BFF;
	s21 =	sshll.u32 s6, $0x1;
	s3 =	sadd.s32 s4, s19  }
0x9c: {  	s7 =	simm.s32 $0x0;
	s20 =	sshll.u32 s5, $0x1;
	s5 =	sadd.s32 s21, s3  }
0x9d: {  	[timem:s7], [sflag:s22] =	dma.local [hbm:s5], s20  }
0x9e: {  	_ =	swait.ge [sflag:s22], s20  }
0x9f: {  	s4 =	ssub.s32 $0x0, s20;
	[sflag:s22] =	ssyncset.done $0x0  }
0xa0: {  	[sflag:s22] =	ssyncadd.s32 s4;
	_ =	sdelay $0x1  }
0xa1: {  	s23 =	simm.s32 $0x1B8B  }
0xa2: {  	_ =	swait.ge [sflag:s23], $0x1  }
0xa3: {  	[sflag:s23] =	ssyncset.done $0x0  }
0xa4: {  	s25 =	simm.s32 $0x1B8E;
	s24 =	sld [smem:$0x3FFE];
	[sflag:s23] =	ssyncadd.s32 $0xFFFFFFFF  }
0xa5: {  	s26 =	simm.s32 $execute0_lowered;
	[smem:$0x3FD2] =	sst s25  }
0xa6: {  	s5 =	sshll.u32 s26, $0x1;
	_ =	strace $0x80000046;
	[dreg:$0x1] =	wrdreg $0xFFFFFFFF  }
0xa7: {  	s28 =	simm.s32 $_size_execute0_lowered;
	s3 =	sadd.s32 s3, s5;
	[dreg:$0x0] =	wrdreg $0x0  }
0xa8: {  	s5 =	sshll.u32 s28, $0x1;
	[dreg:$0x2] =	wrdreg s3  }
0xa9: {  	[dreg:$0x3] =	wrdreg s5  }
0xaa: {  	[dreg:$0x4] =	wrdreg $0xC0  }
0xab: {  	_ =	task [dreg:s7], $0x5FFFF  }
0xac: {  	[dreg:$0x1] =	wrdreg $0xFFFFFFFF  }
0xad: {  	[dreg:$0x0] =	wrdreg $0x60  }
0xae: {  	[dreg:$0x2] =	wrdreg s24  }
0xaf: {  	[dreg:$0x3] =	wrdreg s2  }
0xb0: {  	[dreg:$0x4] =	wrdreg $0x31100  }
0xb1: {  	[dreg:$0x5] =	wrdreg $0x9  }
0xb2: {  	_ =	task.clear_ibuf [dreg:s7], $0x6FFFF;
	_ =	strace $0x90000046  }
0xb3: {  	s29 =	simm.s32 $0x9;
	_ =	strace $0x80000048  }
0xb4: {  	_ =	swait.ge [sflag:s29], $0x1  }
0xb5: {  	[sflag:s29] =	ssyncadd.s32 $0xFFFFFFFF  }
0xb6: {  	_ =	strace $0x90000048  }
0xb7: {  	_ =	sfence  }
0xb8: {  	s30 =	sld [smem:$0x0];
	_ =	sdelay $0x2  }
0xb9: {  	s31 =	sshll.u32 s1, $0xD;
	s1 =	sshrl.u32 s1, $0x2  }
0xba: {  	s3 =	sand.u32 $0x4000, s31;
	s1 =	sadd.s32 s1, s30  }
0xbb: {  	s0 =	sor.u32 s3, s0;
	s1 =	sshll.u32 s1, $0x11  }
0xbc: {  	s0 =	sor.u32 s1, s0  }
0xbd: {  	s0 =	sadd.s32 $0x8F2B, s0  }
0xbe: {  	[sflag:s0] =	ssyncadd.remote.s32 $0x1  }
0xbf: {  	_ =	sfence.sel $0xFFFF  }
0xc0: {  	[dreg:$0x0] =	wrdreg $0xFFFFFFFF;
	(pc) =	sbr.abs _section_cstart, $3  }
0xc1: {  	[dreg:$0x1] =	wrdreg $0xFFFFFFFF  }
0xc2: {  	_ =	task.clear_ibuf [dreg:s7], $0x2FFFF;
	_ =	strace $0x9FFFFFFF  }
0xc3: {  	(tm) =	ssettm $0x7FFFFFFF  }
tec
execute0_lowered:
.L_overlay_start_1:
0x0: {  	(tag) =	ssettag $0x1  }
0x1: {  	s0 =	rddreg [dreg:$0x0]  }
0x2: {  	s1 =	rddreg [dreg:$0x1]  }
0x3: {  	s2 =	rddreg [dreg:$0x2];
	s3 =	simm.s32 $0x0;
	s4 =	srdreg.scid  }
0x4: {  	s10 =	stileid.u32;
	s21 =	simm.s32 $0x100;
	s22 =	simm.s32 $0x2  }
0x5: {  	s23 =	simm.s32 $0x80;
	s24 =	simm.s32 $0x1;
	s25 =	simm.s32 $0x2900  }
0x6: {  	s26 =	simm.s32 $0x2D00;
	s28 =	simm.s32 $0x0;
	[smem:$0x7FF] =	sst s3  }
0x7: {  	s5 =	sadd.s32 $0x1400, s0;
	s6 =	sadd.s32 $0x23E00, s0;
	s7 =	sadd.s32 $0x19C00, s0  }
0x8: {  	s4 =	sand.u32 $0x1, s4;
	s8 =	sadd.s32 $0x2E000, s0;
	s13 =	smul.u32 $0xC580, s10  }
0x9: {  	s0 =	sadd.s32 $0x2E600, s0;
	s10 =	sshll.u32 s10, $0x1;
	_ =	strace $0x80000047  }
0xa: {  	[dreg:$0x4] =	wrdreg s8;
	s29 =	ssub.s32 $0x2, s4;
	s14 =	sor.u32 s4, s10  }
0xb: {  	s4 =	smul.u32 $0xC5800, s4;
	s9 =	sshrl.u32 s29, $0x1;
	s15 =	sadd.s32 $0x2800, s13  }
0xc: {  	s17 =	sadd.s32 $0x5000, s13;
	s18 =	sadd.s32 $0x7800, s13;
	s19 =	sadd.s32 $0xA000, s13  }
0xd: {  	s14 =	smul.u32 $0x2880, s14;
	s8 =	ssub.s32 s29, s9;
	s9 =	sadd.s32 s13, s2  }
0xe: {  	s10 =	sadd.s32 s15, s2;
	s11 =	sadd.s32 s17, s2;
	s12 =	sadd.s32 s18, s2  }
0xf: {  	s16 =	sadd.s32 s13, s4;
	s13 =	sadd.s32 s19, s2;
	s20 =	sadd.s32 s4, s15  }
0x10: {  	s17 =	sadd.s32 s4, s17;
	s18 =	sadd.s32 s4, s18;
	s4 =	sadd.s32 s4, s19  }
0x11: {  	v6 =	vlaneseq.u32;
	s16 =	sshrl.u32 s16, $0x3;
	s31 =	sshrl.u32 s20, $0x3;
	s17 =	sshrl.u32 s17, $0x3  }
0x12: {  	v1 =	vand.u32 $0x7, v6;
	s18 =	sshrl.u32 s18, $0x3;
	s4 =	sshrl.u32 s4, $0x3;
	s20 =	smax.u32 s8, $0x1  }
0x13: {  	v0 =	vshrl.u32 v6, $0x3;
	v6 =	vor.u32 $0x40, v6;
	v2 =	vor.u32 $0x40, v1;
	s30 =	sadd.s32 s0, s16;
	s16 =	sadd.s32 s0, s31;
	s17 =	sadd.s32 s0, s17  }
0x14: {  	v3 =	vor.u32 $0x2, v0;
	v4 =	vor.u32 $0x4, v0;
	v5 =	vor.u32 $0x6, v0;
	s18 =	sadd.s32 s0, s18;
	s19 =	sadd.s32 s0, s4;
	[dreg:$0x5] =	wrdreg s30  }
.LBB2_1:
0x15: {  	s0 =	rddreg [dreg:$0x4]  }
0x16: {  	[tilespmem:s21], [sflag:$0x2] =	stream.linear.gather [hbm4b:s0+s3], $0x2800, $0x38;
	[tilespmem:$0xF690] =	vst v63  }
0x17: {  	_ =	swait.ge [sflag:s22], $0x2800  }
0x18: {  	[sflag:s22] =	ssyncset.done $0x0  }
0x19: {  	[sflag:s22] =	ssyncadd.s32 $0xFFFFD800  }
0x1a: {  	[spmem:s9] =	stream.linear.scatter [tilespmem:s21], [sflag:$0x2], $0x2800, $0x38;
	[tilespmem:$0xF690] =	vst v63  }
0x1b: {  	_ =	swait.ge [sflag:s22], $0x2800  }
0x1c: {  	[sflag:s22] =	ssyncset.done $0x0  }
0x1d: {  	[sflag:s22] =	ssyncadd.s32 $0xFFFFD800  }
0x1e: {  	[spmem:s10] =	stream.linear.scatter [tilespmem:s21], [sflag:$0x2], $0x2800, $0x38;
	[tilespmem:$0xF690] =	vst v63  }
0x1f: {  	_ =	swait.ge [sflag:s22], $0x2800  }
0x20: {  	[sflag:s22] =	ssyncset.done $0x0  }
0x21: {  	[sflag:s22] =	ssyncadd.s32 $0xFFFFD800  }
0x22: {  	[spmem:s11] =	stream.linear.scatter [tilespmem:s21], [sflag:$0x2], $0x2800, $0x38;
	[tilespmem:$0xF690] =	vst v63  }
0x23: {  	_ =	swait.ge [sflag:s22], $0x2800  }
0x24: {  	[sflag:s22] =	ssyncset.done $0x0  }
0x25: {  	[sflag:s22] =	ssyncadd.s32 $0xFFFFD800  }
0x26: {  	[spmem:s12] =	stream.linear.scatter [tilespmem:s21], [sflag:$0x2], $0x2800, $0x38;
	[tilespmem:$0xF690] =	vst v63  }
0x27: {  	_ =	swait.ge [sflag:s22], $0x2800  }
0x28: {  	[sflag:s22] =	ssyncset.done $0x0  }
0x29: {  	[sflag:s22] =	ssyncadd.s32 $0xFFFFD800  }
0x2a: {  	[spmem:s13] =	stream.linear.scatter [tilespmem:s21], [sflag:$0x2], $0x2580, $0x38;
	[tilespmem:$0xF690] =	vst v63  }
0x2b: {  	_ =	swait.ge [sflag:s22], $0x2580  }
0x2c: {  	[sflag:s22] =	ssyncset.done $0x0  }
0x2d: {  	[sflag:s22] =	ssyncadd.s32 $0xFFFFDA80  }
0x2e: {  	s29 =	simm.s32 $0x0;
	[bflag:$0x0] =	sbarrier.arrive $0xFFFF  }
.LBB2_2:
0x2f: {  	s0 =	sshll.u32 s29, $0x7  }
0x30: {  	s0 =	sadd.s32 s14, s0  }
0x31: {  	s0 =	sshrl.u32 s0, $0x3  }
0x32: {  	s31 =	simm.s32 $0x0;
	s4 =	sadd.s32 s6, s0  }
0x33: {  	[tilespmem:s31], [sflag:$0x2] =	stream.linear.gather [hbm4b:s4+s31], $0x80, $0x38;
	[tilespmem:$0xF690] =	vst v63  }
0x34: {  	_ =	swait.ge [sflag:s22], $0x80  }
0x35: {  	[sflag:s22] =	ssyncset.done $0x0  }
0x36: {  	s0 =	sadd.s32 s7, s0;
	[sflag:s22] =	ssyncadd.s32 $0xFFFFFF80  }
0x37: {  	[tilespmem:s23], [sflag:$0x2] =	stream.linear.gather [hbm4b:s0+s31], $0x80, $0x38;
	[tilespmem:$0xF690] =	vst v63  }
0x38: {  	_ =	swait.ge [sflag:s22], $0x80  }
0x39: {  	[sflag:s22] =	ssyncset.done $0x0  }
0x3a: {  	[sflag:s22] =	ssyncadd.s32 $0xFFFFFF80  }
0x3b: {  	[tilespmem:s21], [sflag:$0x1] =	stream.indirect.gather [hbm4b:s5+s23], $0x50, s31, s23, $0xb8;
	[tilespmem:$0xF690] =	vst v63  }
0x3c: {  	v7 =	vor.u32 s31, v0;
	_ =	swait.ge [sflag:s24], $0x2800  }
0x3d: {  	v8 =	vmul.u32 $0x50, v7;
	v9 =	vshll.u32 v7, $0x3;
	[sflag:s24] =	ssyncset.done $0x0  }
0x3e: {  	v9 =	vor.u32 v1, v9;
	[sflag:s24] =	ssyncadd.s32 $0xFFFFD800  }
0x3f: {  	v8 =	vadd.s32 v2, v8;
	[tilespmem:s25], [sflag:$0x1] =	stream.indirect.gather [hbm4b:s1+s23], $0x8, s23, s23, $0xb8;
	[tilespmem:$0xF690] =	vst v63  }
0x40: {  	_ =	swait.ge [sflag:s24], $0x400  }
0x41: {  	[sflag:s24] =	ssyncset.done $0x0  }
0x42: {  	[sflag:s24] =	ssyncadd.s32 $0xFFFFFC00  }
0x43: {  	v9 =	vld.idx.msk [tilespmem:v9+s25+$0x0], $0xffff  }
0x44: {  	v8 =	vld.idx.msk [tilespmem:v8+s21+$0x0], $0xffff;
	_ =	sdelay $0x4  }
0x45: {  	v8 =	vadd.f32 v9, v8;
	_ =	sdelay $0x1  }
0x46: {  	v9 =	vmul.f32 $2.000000030e-01, v8;
	_ =	sdelay $0x1  }
0x47: {  	v8 =	vmax.f32 v8, v9  }
0x48: {  	v8 =	vmul.f32 $1.442695020e+00, v8;
	_ =	sdelay $0x1  }
0x49: {  	(erf) = vpow2.f32 v8;
	_ =	sdelay $0x2  }
0x4a: {  	s8 =	simm.s32 $0x2  }
0x4b: {  	v8 =	vor.u32 s8, v0  }
0x4c: {  	v9 =	vmul.u32 $0x50, v8;
	v8 =	vshll.u32 v8, $0x3  }
0x4d: {  	v8 =	vor.u32 v1, v8  }
0x4e: {  	v9 =	vadd.s32 v2, v9;
	_ =	sdelay $0x1  }
0x4f: {  	s30 =	simm.s32 $0x2D00;
	v10 =	vpop (erf)  }
0x50: {  	[tilespmem:s30+$0x0] =	vst v10  }
0x51: {  	v8 =	vld.idx.msk [tilespmem:v8+s25+$0x0], $0xffff  }
0x52: {  	v9 =	vld.idx.msk [tilespmem:v9+s21+$0x0], $0xffff;
	_ =	sdelay $0x4  }
0x53: {  	v8 =	vadd.f32 v8, v9;
	_ =	sdelay $0x1  }
0x54: {  	v9 =	vmul.f32 $2.000000030e-01, v8;
	_ =	sdelay $0x1  }
0x55: {  	v8 =	vmax.f32 v8, v9  }
0x56: {  	v8 =	vmul.f32 $1.442695020e+00, v8;
	_ =	sdelay $0x1  }
0x57: {  	(erf) = vpow2.f32 v8;
	_ =	sdelay $0x2  }
0x58: {  	s15 =	simm.s32 $0x4  }
0x59: {  	s4 =	simm.s32 $0x6;
	s0 =	simm.s32 $0x2D00;
	v8 =	vor.u32 s15, v0  }
.LBB2_3:
0x5a: {  	p0 =	sne.s32 s4, $0x7E;
	v9 =	vmul.u32 $0x50, v8;
	v8 =	vshll.u32 v8, $0x3  }
0x5b: {  	v8 =	vor.u32 v1, v8  }
0x5c: {  	v9 =	vadd.s32 v2, v9;
	_ =	sdelay $0x1  }
0x5d: {  	s0 =	sadd.s32 $0x10, s0;
	v10 =	vpop (erf)  }
0x5e: {  	[tilespmem:s0+$0x0] =	vst v10  }
0x5f: {  	v8 =	vld.idx.msk [tilespmem:v8+s25+$0x0], $0xffff  }
0x60: {  	v9 =	vld.idx.msk [tilespmem:v9+s21+$0x0], $0xffff;
	_ =	sdelay $0x5  }
0x61: {  	v8 =	vadd.f32 v8, v9;
	_ =	sdelay $0x1  }
0x62: {  	v9 =	vmul.f32 $2.000000030e-01, v8;
	_ =	sdelay $0x1  }
0x63: {  	v8 =	vmax.f32 v8, v9  }
0x64: {  	v8 =	vmul.f32 $1.442695020e+00, v8;
	_ =	sdelay $0x1  }
.Ltmp0:
0x65: {  	(erf) = vpow2.f32 v8;
	(pc) =	sbr.rel @p0 .LBB2_3-.Ltmp0, $2  }
0x66: {  	_ =	sdelay $0x2  }
0x67: {  	v8 =	vor.u32 s4, v0;
	s4 =	sadd.s32 $0x2, s4  }
0x68: {  	v9 =	vmul.u32 $0x50, v8;
	v8 =	vshll.u32 v8, $0x3  }
0x69: {  	v8 =	vor.u32 v1, v8  }
0x6a: {  	v9 =	vadd.s32 v2, v9;
	_ =	sdelay $0x1  }
0x6b: {  	s0 =	sadd.s32 $0x10, s0;
	v10 =	vpop (erf)  }
0x6c: {  	[tilespmem:s0+$0x0] =	vst v10  }
0x6d: {  	v8 =	vld.idx.msk [tilespmem:v8+s25+$0x0], $0xffff  }
0x6e: {  	v9 =	vld.idx.msk [tilespmem:v9+s21+$0x0], $0xffff;
	_ =	sdelay $0x4  }
0x6f: {  	v8 =	vadd.f32 v8, v9;
	_ =	sdelay $0x1  }
0x70: {  	v9 =	vmul.f32 $2.000000030e-01, v8;
	_ =	sdelay $0x1  }
0x71: {  	v8 =	vmax.f32 v8, v9  }
0x72: {  	v8 =	vmul.f32 $1.442695020e+00, v8;
	_ =	sdelay $0x1  }
0x73: {  	(erf) = vpow2.f32 v8;
	_ =	sdelay $0x8  }
0x74: {  	s0 =	sadd.s32 $0x10, s0;
	v8 =	vpop (erf)  }
0x75: {  	[tilespmem:s0+$0x0] =	vst v8  }
0x76: {  	s0 =	simm.s32 $0x120;
	v7 =	vld.idx.msk [tilespmem:v7+s26+$0x0], $0xffff  }
0x77: {  	v8 =	vld [tilespmem:s0+$0xFFFFFFE0];
	_ =	sdelay $0x2  }
0x78: {  	v9 =	vor.u32 s31, v3;
	_ =	sdelay $0x1  }
0x79: {  	v7 =	vmul.f32 v8, v7;
	_ =	sdelay $0x1  }
0x7a: {  	v8 =	vld [tilespmem:s0+$0xFFFFFFF0];
	[tilespmem:s0+$0xFFFFFFE0] =	vst v7  }
0x7b: {  	v7 =	vld.idx.msk [tilespmem:v9+s26+$0x0], $0xffff;
	_ =	sdelay $0x2  }
0x7c: {  	v9 =	vor.u32 s31, v4;
	_ =	sdelay $0x1  }
0x7d: {  	v7 =	vmul.f32 v8, v7;
	_ =	sdelay $0x1  }
0x7e: {  	v8 =	vld [tilespmem:s0+$0x0];
	[tilespmem:s0+$0xFFFFFFF0] =	vst v7  }
0x7f: {  	v7 =	vld.idx.msk [tilespmem:v9+s26+$0x0], $0xffff;
	_ =	sdelay $0x2  }
0x80: {  	v9 =	vor.u32 s31, v5;
	_ =	sdelay $0x1  }
0x81: {  	v7 =	vmul.f32 v8, v7;
	_ =	sdelay $0x1  }
0x82: {  	v8 =	vld [tilespmem:s0+$0x10];
	[tilespmem:s0+$0x0] =	vst v7  }
0x83: {  	v7 =	vld.idx.msk [tilespmem:v9+s26+$0x0], $0xffff;
	_ =	sdelay $0x2  }
0x84: {  	v9 =	vmov s31  }
0x85: {  	v9 =	vmul.u32 $0x50, v9  }
0x86: {  	v7 =	vmul.f32 v8, v7  }
0x87: {  	v8 =	vbroadcast v9, $0x0  }
0x88: {  	[tilespmem:s0+$0x10] =	vst v7  }
0x89: {  	s4 =	simm.s32 $0x8;
	v9 =	vadd.s32 v6, v8;
	v7 =	vld [tilespmem:s30+$0x0]  }
0x8a: {  	s8 =	simm.s32 $0x2;
	s31 =	simm.s32 $0x1;
	v8 =	vor.u32 s4, v0  }
.LBB2_5:
0x8b: {  	_ =	sdelay $0x2  }
0x8c: {  	p0 =	sne.s32 s8, $0x7F;
	s30 =	sadd.s32 $0x8, s30;
	s0 =	sadd.s32 $0x50, s0;
	[tilespmem:v9+s21+$0x0] =	vst.idx.msk $0xff, v7  }
0x8d: {  	s15 =	smov.u32 s8;
	s8 =	sadd.s32 $0x1, s8;
	v7 =	vld.idx.msk [tilespmem:v8+s26+$0x0], $0xffff  }
0x8e: {  	v8 =	vld [tilespmem:s0+$0xFFFFFFE0];
	_ =	sdelay $0x2  }
0x8f: {  	v9 =	vor.u32 s4, v3;
	_ =	sdelay $0x1  }
0x90: {  	v7 =	vmul.f32 v8, v7;
	_ =	sdelay $0x1  }
0x91: {  	[tilespmem:s0+$0xFFFFFFE0] =	vst v7  }
0x92: {  	v7 =	vld.idx.msk [tilespmem:v9+s26+$0x0], $0xffff  }
0x93: {  	v8 =	vld [tilespmem:s0+$0xFFFFFFF0];
	_ =	sdelay $0x2  }
0x94: {  	v9 =	vor.u32 s4, v4;
	_ =	sdelay $0x1  }
0x95: {  	v7 =	vmul.f32 v8, v7;
	_ =	sdelay $0x1  }
0x96: {  	[tilespmem:s0+$0xFFFFFFF0] =	vst v7  }
0x97: {  	v7 =	vld.idx.msk [tilespmem:v9+s26+$0x0], $0xffff  }
0x98: {  	v8 =	vld [tilespmem:s0+$0x0];
	_ =	sdelay $0x2  }
0x99: {  	v9 =	vor.u32 s4, v5;
	_ =	sdelay $0x1  }
0x9a: {  	v7 =	vmul.f32 v8, v7;
	_ =	sdelay $0x1  }
0x9b: {  	[tilespmem:s0+$0x0] =	vst v7  }
0x9c: {  	v7 =	vld.idx.msk [tilespmem:v9+s26+$0x0], $0xffff  }
0x9d: {  	v8 =	vld [tilespmem:s0+$0x10];
	_ =	sdelay $0x2  }
0x9e: {  	v9 =	vmov s31;
	s31 =	smov.u32 s15  }
0x9f: {  	v9 =	vmul.u32 $0x50, v9  }
.Ltmp1:
0xa0: {  	v7 =	vmul.f32 v8, v7;
	(pc) =	sbr.rel @p0 .LBB2_5-.Ltmp1, $4  }
0xa1: {  	v8 =	vbroadcast v9, $0x0  }
0xa2: {  	[tilespmem:s0+$0x10] =	vst v7  }
0xa3: {  	s4 =	sadd.s32 $0x8, s4;
	v9 =	vadd.s32 v6, v8;
	v7 =	vld [tilespmem:s30+$0x0]  }
0xa4: {  	v8 =	vor.u32 s4, v0  }
0xa5: {  	_ =	sdelay $0x3  }
0xa6: {  	[tilespmem:v9+s21+$0x0] =	vst.idx.msk $0xff, v7  }
0xa7: {  	s0 =	sadd.s32 $0x50, s0;
	v7 =	vld.idx.msk [tilespmem:v8+s26+$0x0], $0xffff  }
0xa8: {  	v8 =	vld [tilespmem:s0+$0xFFFFFFE0];
	_ =	sdelay $0x2  }
0xa9: {  	v60 =	vor.u32 s4, v3;
	_ =	sdelay $0x1  }
0xaa: {  	v7 =	vmul.f32 v8, v7;
	_ =	sdelay $0x1  }
0xab: {  	v8 =	vld [tilespmem:s0+$0xFFFFFFF0];
	[tilespmem:s0+$0xFFFFFFE0] =	vst v7  }
0xac: {  	v7 =	vld.idx.msk [tilespmem:v60+s26+$0x0], $0xffff;
	_ =	sdelay $0x2  }
0xad: {  	v61 =	vor.u32 s4, v4;
	_ =	sdelay $0x1  }
0xae: {  	v7 =	vmul.f32 v8, v7;
	_ =	sdelay $0x1  }
0xaf: {  	v8 =	vld [tilespmem:s0+$0x0];
	[tilespmem:s0+$0xFFFFFFF0] =	vst v7  }
0xb0: {  	v7 =	vld.idx.msk [tilespmem:v61+s26+$0x0], $0xffff;
	_ =	sdelay $0x2  }
0xb1: {  	v62 =	vor.u32 s4, v5;
	_ =	sdelay $0x1  }
0xb2: {  	v7 =	vmul.f32 v8, v7;
	_ =	sdelay $0x1  }
0xb3: {  	v8 =	vld [tilespmem:s0+$0x10];
	[tilespmem:s0+$0x0] =	vst v7  }
0xb4: {  	v7 =	vld.idx.msk [tilespmem:v62+s26+$0x0], $0xffff;
	_ =	sdelay $0x2  }
0xb5: {  	v63 =	vmov s31  }
0xb6: {  	v9 =	vmul.u32 $0x50, v63  }
0xb7: {  	v7 =	vmul.f32 v8, v7  }
0xb8: {  	v8 =	vbroadcast v9, $0x0  }
0xb9: {  	s31 =	sadd.s32 $0x8, s30;
	[tilespmem:s0+$0x10] =	vst v7  }
0xba: {  	v8 =	vadd.s32 v6, v8;
	v7 =	vld [tilespmem:s31+$0x0];
	_ =	sdelay $0x2  }
0xbb: {  	s29 =	sadd.s32 $0x1, s29  }
0xbc: {  	p0 =	sne.s32 s29, $0x51  }
.Ltmp2:
0xbd: {  	[tilespmem:v8+s21+$0x0] =	vst.idx.msk $0xff, v7;
	(pc) =	sbr.rel @p0 .LBB2_2-.Ltmp2, $4  }
0xbe: {  	[spmem:s2] =	stream.indirect.scatter.add.f32 [tilespmem:s21], [sflag:$0x2], $0x50, s23, s23, $0xb8;
	[tilespmem:$0xF690] =	vst v63  }
0xbf: {  	_ =	swait.ge [sflag:s22], $0x2800  }
0xc0: {  	[sflag:s22] =	ssyncset.done $0x0  }
0xc1: {  	[sflag:s22] =	ssyncadd.s32 $0xFFFFD800  }
0xc2: {  	[bflag:$0x0] =	sbarrier.arrive $0xFFFF  }
0xc3: {  	[tilespmem:s21], [sflag:$0x2] =	stream.linear.gather [spmem:s9], $0x2800, $0x38;
	[tilespmem:$0xF690] =	vst v63  }
0xc4: {  	_ =	swait.ge [sflag:s22], $0x2800  }
0xc5: {  	[sflag:s22] =	ssyncset.done $0x0  }
0xc6: {  	s0 =	rddreg [dreg:$0x5];
	[sflag:s22] =	ssyncadd.s32 $0xFFFFD800  }
0xc7: {  	[hbm4b:s0+s3] =	stream.linear.scatter [tilespmem:s21], [sflag:$0x2], $0x2800, $0x38;
	[tilespmem:$0xF690] =	vst v63  }
0xc8: {  	_ =	swait.ge [sflag:s22], $0x2800  }
0xc9: {  	[sflag:s22] =	ssyncset.done $0x0  }
0xca: {  	[sflag:s22] =	ssyncadd.s32 $0xFFFFD800  }
0xcb: {  	[tilespmem:s21], [sflag:$0x2] =	stream.linear.gather [spmem:s10], $0x2800, $0x38;
	[tilespmem:$0xF690] =	vst v63  }
0xcc: {  	_ =	swait.ge [sflag:s22], $0x2800  }
0xcd: {  	[sflag:s22] =	ssyncset.done $0x0  }
0xce: {  	[sflag:s22] =	ssyncadd.s32 $0xFFFFD800  }
0xcf: {  	[hbm4b:s16+s3] =	stream.linear.scatter [tilespmem:s21], [sflag:$0x2], $0x2800, $0x38;
	[tilespmem:$0xF690] =	vst v63  }
0xd0: {  	_ =	swait.ge [sflag:s22], $0x2800  }
0xd1: {  	[sflag:s22] =	ssyncset.done $0x0  }
0xd2: {  	[sflag:s22] =	ssyncadd.s32 $0xFFFFD800  }
0xd3: {  	[tilespmem:s21], [sflag:$0x2] =	stream.linear.gather [spmem:s11], $0x2800, $0x38;
	[tilespmem:$0xF690] =	vst v63  }
0xd4: {  	_ =	swait.ge [sflag:s22], $0x2800  }
0xd5: {  	[sflag:s22] =	ssyncset.done $0x0  }
0xd6: {  	[sflag:s22] =	ssyncadd.s32 $0xFFFFD800  }
0xd7: {  	[hbm4b:s17+s3] =	stream.linear.scatter [tilespmem:s21], [sflag:$0x2], $0x2800, $0x38;
	[tilespmem:$0xF690] =	vst v63  }
0xd8: {  	_ =	swait.ge [sflag:s22], $0x2800  }
0xd9: {  	[sflag:s22] =	ssyncset.done $0x0  }
0xda: {  	[sflag:s22] =	ssyncadd.s32 $0xFFFFD800  }
0xdb: {  	[tilespmem:s21], [sflag:$0x2] =	stream.linear.gather [spmem:s12], $0x2800, $0x38;
	[tilespmem:$0xF690] =	vst v63  }
0xdc: {  	_ =	swait.ge [sflag:s22], $0x2800  }
0xdd: {  	[sflag:s22] =	ssyncset.done $0x0  }
0xde: {  	[sflag:s22] =	ssyncadd.s32 $0xFFFFD800  }
0xdf: {  	[hbm4b:s18+s3] =	stream.linear.scatter [tilespmem:s21], [sflag:$0x2], $0x2800, $0x38;
	[tilespmem:$0xF690] =	vst v63  }
0xe0: {  	_ =	swait.ge [sflag:s22], $0x2800  }
0xe1: {  	[sflag:s22] =	ssyncset.done $0x0  }
0xe2: {  	[sflag:s22] =	ssyncadd.s32 $0xFFFFD800  }
0xe3: {  	[tilespmem:s21], [sflag:$0x2] =	stream.linear.gather [spmem:s13], $0x2580, $0x38;
	[tilespmem:$0xF690] =	vst v63  }
0xe4: {  	s28 =	sadd.s32 $0x1, s28;
	_ =	swait.ge [sflag:s22], $0x2580  }
0xe5: {  	p0 =	sne.s32 s28, s20;
	[sflag:s22] =	ssyncset.done $0x0  }
.Ltmp3:
0xe6: {  	[sflag:s22] =	ssyncadd.s32 $0xFFFFDA80;
	(pc) =	sbr.rel @p0 .LBB2_1-.Ltmp3, $4  }
0xe7: {  	[hbm4b:s19+s3] =	stream.linear.scatter [tilespmem:s21], [sflag:$0x2], $0x2580, $0x38;
	[tilespmem:$0xF690] =	vst v63  }
0xe8: {  	_ =	swait.ge [sflag:s22], $0x2580  }
0xe9: {  	[sflag:s22] =	ssyncset.done $0x0  }
0xea: {  	[sflag:s22] =	ssyncadd.s32 $0xFFFFDA80  }
0xeb: {  	_ =	sfence.sel $0x180000  }
0xec: {  	[bflag:$0x0] =	sbarrier.arrive $0xFFFF  }
0xed: {  	_ =	strace $0x90000047  }
0xee: {  	s0 =	stileid.u32;
	[bflag:$0x2] =	sbarrier.arrive $0xFFFF  }
0xef: {  	p0 =	sne.s32 s0, $0x0;
	s0 =	rddreg [dreg:$0x3]  }
0xf0: {  	s0 =	sadd.s32 @!p0 $0x100000, s0  }
0xf1: {  	[sflag:s0] =	ssyncadd.tile.s32 @!p0 $0x1;
	_ =	shalt  }
.Lfunc_end2:
_tile_overlayer_lowered:
.L_overlay_start_2:
0xf2: {  	(tag) =	ssettag $0x2  }
0xf3: {  	s0 =	rddreg [dreg:$0x0];
	s2 =	stileid.u32  }
0xf4: {  	s1 =	rddreg [dreg:$0x1];
	p0 =	sne.s32 s2, $0x0  }
0xf5: {  	s3 =	rddreg [dreg:$0x2];
	[bflag:$0x3] =	sbarrier.arrive $0xFFFF;
	s2 =	simm.s32 @!p0 $0x1C02  }
0xf6: {  	[timem:s3], [sflag:s2] =	dma.local @!p0 [hbm:s0], s1  }
0xf7: {  	s0 =	simm.s32 @!p0 $0x2  }
0xf8: {  	_ =	swait.ge @!p0 [sflag:s0], s1  }
0xf9: {  	s1 =	ssub.s32 @!p0 $0x0, s1;
	[sflag:s0] =	ssyncset.done @!p0 $0x0  }
0xfa: {  	[sflag:s0] =	ssyncadd.s32 @!p0 s1  }
0xfb: {  	[bflag:$0x3] =	sbarrier.arrive $0xFFFF  }
0xfc: {  	_ =	shalt  }

</sc_bundles>
